<compile_context>
chip_gen: v7x
topology: tpu7x:2x2x1
jax: 0.10.2.dev20260603
libtpu: 0.0.44.dev20260713+nightly
codegen_flags: <defaults>
</compile_context>

<pallas_src>
import jax
import jax.numpy as jnp
from jax import lax
from jax.experimental import pallas as pl
from jax.experimental.pallas import tpu as pltpu
from jax.experimental.pallas import tpu_sc as plsc

NC, NS, L = 2, 16, 16
NW = NC * NS
B, H, P = 16384, 200, 200
N = B * H
PER_W = N // NW
NBUF = 4
NCH = 8
CH = PER_W // NCH
UNROLL = 16


def _body(pos_hbm, w_hbm, out_hbm, table_v, idx_v, val_v, in_sems, out_sems, w_sem):
    wid = lax.axis_index("s") * NC + lax.axis_index("c")
    base = wid * PER_W
    w_copy = pltpu.async_copy(w_hbm, table_v, w_sem)

    ins = [
        pltpu.async_copy(
            pos_hbm.at[pl.ds(base + b * CH, CH)], idx_v.at[b], in_sems.at[b]
        )
        for b in range(NBUF)
    ]
    outs = [None] * NBUF
    w_copy.wait()
    for g in range(NCH):
        b = g % NBUF
        ins[b].wait()
        if outs[b] is not None:
            outs[b].wait()

        @plsc.parallel_loop(0, CH // L, unroll=UNROLL)
        def _gather(i, b=b):
            sl = pl.ds(i * L, L)
            val_v[b, sl] = plsc.load_gather(table_v, [idx_v[b, sl]])

        outs[b] = pltpu.async_copy(
            val_v.at[b], out_hbm.at[pl.ds(base + g * CH, CH)], out_sems.at[b]
        )
        if g + NBUF < NCH:
            ins[b] = pltpu.async_copy(
                pos_hbm.at[pl.ds(base + (g + NBUF) * CH, CH)],
                idx_v.at[b],
                in_sems.at[b],
            )
    for b in range(NBUF):
        outs[b].wait()


_mesh = plsc.VectorSubcoreMesh(
    core_axis_name="c", subcore_axis_name="s", num_cores=NC, num_subcores=NS
)

_lookup = pl.kernel(
    _body,
    out_type=jax.ShapeDtypeStruct((N,), jnp.float32),
    mesh=_mesh,
    compiler_params=pltpu.CompilerParams(needs_layout_passes=False),
    scratch_types=[
        pltpu.VMEM((P,), jnp.float32),
        pltpu.VMEM((NBUF, CH), jnp.int32),
        pltpu.VMEM((NBUF, CH), jnp.float32),
        pltpu.SemaphoreType.DMA((NBUF,)),
        pltpu.SemaphoreType.DMA((NBUF,)),
        pltpu.SemaphoreType.DMA,
    ],
)


def kernel(position, W):
    x = position.T.reshape(H // 8, 8, B // 128, 128).swapaxes(1, 2).reshape(N)
    y = _lookup(x, W.reshape(P))
    return y.reshape(H // 8, B // 128, 8, 128).swapaxes(1, 2).reshape(H, B).T

# --- scband reference (transcript-rebuilt; emitter-appended) ---
"""Pipeline reference for scband-examination-model-60318520705304 (READ-ONLY COPY).

The authoritative reference and input builder live on the scoring server;
editing this copy changes nothing except your own understanding.
"""

import jax, jax.numpy as jnp
import numpy as np

POSITIONS = 200
BATCH = 16384
HIST = 200

def setup_inputs(seed: int = 0) -> dict:
    key = jax.random.key(seed)
    k1, k2 = jax.random.split(key)
    position = jax.random.randint(k1, (BATCH, HIST), 0, POSITIONS)
    # nn.Embed default init is normal(stddev=1/sqrt(features)); exact init values irrelevant for correctness
    W = jax.random.normal(k2, (POSITIONS, 1), dtype=jnp.float32)
    return {"position": position, "W": W}

def reference(position, W):
    # flax nn.Embed: embedding lookup table[idx], then .squeeze() removes the trailing features=1 dim
    out = jnp.take(W, position, axis=0)  # [BATCH, HIST, 1]
    return out.squeeze()  # [BATCH, HIST]

if __name__ == "__main__":
    import jax
    _d = setup_inputs()
    print(jax.jit(kernel)(*tuple(_d.values())))

</pallas_src>

<mosaic_0001>
#map = affine_map<(d0, d1) -> (0)>
module attributes {stable_mosaic.version = 14 : i64} {
  func.func @_body(%arg0: i32, %arg1: i32, %arg2: memref<3276800xi32, #tpu.memory_space<hbm>>, %arg3: memref<200xf32, #tpu.memory_space<hbm>>, %arg4: memref<3276800xf32, #tpu.memory_space<hbm>>, %arg5: memref<200xf32, #tpu.memory_space<vmem>>, %arg6: memref<4x12800xi32, #tpu.memory_space<vmem>>, %arg7: memref<4x12800xf32, #tpu.memory_space<vmem>>, %arg8: memref<4x!tpu.dma_semaphore, #tpu.memory_space<semaphore_mem>>, %arg9: memref<4x!tpu.dma_semaphore, #tpu.memory_space<semaphore_mem>>, %arg10: memref<!tpu.dma_semaphore, #tpu.memory_space<semaphore_mem>>) attributes {dimension_semantics = [#tpu.dimension_semantics<core_parallel>, #tpu.dimension_semantics<subcore_parallel>], iteration_bounds = array<i64: 2, 16>, scalar_prefetch = 0 : i64, scratch_operands = 6 : i64, tpu.core_type = #tpu.core_type<sc_vector_subcore>, window_params = [{transform_indices = #map}, {transform_indices = #map}, {transform_indices = #map}]} {
    %mul3A = arith.constant 2 : i32
    %mul3A_0 = arith.muli %arg1, %mul3A : i32
    %add3A = arith.addi %mul3A_0, %arg0 : i32
    %mul3A_1 = arith.constant 102400 : i32
    %mul3A_2 = arith.muli %add3A, %mul3A_1 : i32
    tpu.enqueue_dma source(%arg3 : memref<200xf32, #tpu.memory_space<hbm>>) target(%arg5 : memref<200xf32, #tpu.memory_space<vmem>>) target_semaphore(%arg10 : memref<!tpu.dma_semaphore, #tpu.memory_space<semaphore_mem>>)
    %add3A_3 = arith.constant 0 : i32
    %add3A_4 = arith.addi %mul3A_2, %add3A_3 : i32
    %dma_start3A = arith.constant 0 : i32
    %dma_start3A_5 = arith.constant 0 : i32
    %dma_start3A_6 = arith.constant 0 : i32
    %dma_start3A_7 = tpu.memref_slice %arg6[%dma_start3A, %dma_start3A_6] : memref<4x12800xi32, #tpu.memory_space<vmem>> -> memref<1x12800xi32, #tpu.memory_space<vmem>>
    %dma_start3A_8 = tpu.memref_squeeze %dma_start3A_7 : memref<1x12800xi32, #tpu.memory_space<vmem>> -> memref<12800xi32, #tpu.memory_space<vmem>>
    %dma_start3A_9 = tpu.memref_slice %arg2[%add3A_4] : memref<3276800xi32, #tpu.memory_space<hbm>> -> memref<12800xi32, #tpu.memory_space<hbm>>
    %dma_start3A_10 = tpu.memref_slice %arg8[%dma_start3A_5] : memref<4x!tpu.dma_semaphore, #tpu.memory_space<semaphore_mem>> -> memref<1x!tpu.dma_semaphore, #tpu.memory_space<semaphore_mem>>
    %dma_start3A_11 = tpu.memref_squeeze %dma_start3A_10 : memref<1x!tpu.dma_semaphore, #tpu.memory_space<semaphore_mem>> -> memref<!tpu.dma_semaphore, #tpu.memory_space<semaphore_mem>>
    %dma_start3A_12 = arith.constant 0 : i32
    %dma_start3A_13 = tpu.memref_slice %arg6[%dma_start3A, %dma_start3A_12] : memref<4x12800xi32, #tpu.memory_space<vmem>> -> memref<1x12800xi32, #tpu.memory_space<vmem>>
    %dma_start3A_14 = tpu.memref_squeeze %dma_start3A_13 : memref<1x12800xi32, #tpu.memory_space<vmem>> -> memref<12800xi32, #tpu.memory_space<vmem>>
    %dma_start3A_15 = tpu.memref_slice %arg2[%add3A_4] : memref<3276800xi32, #tpu.memory_space<hbm>> -> memref<12800xi32, #tpu.memory_space<hbm>>
    tpu.enqueue_dma source(%dma_start3A_15 : memref<12800xi32, #tpu.memory_space<hbm>>) target(%dma_start3A_14 : memref<12800xi32, #tpu.memory_space<vmem>>) target_semaphore(%dma_start3A_11 : memref<!tpu.dma_semaphore, #tpu.memory_space<semaphore_mem>>)
    %add3A_16 = arith.constant 12800 : i32
    %add3A_17 = arith.addi %mul3A_2, %add3A_16 : i32
    %dma_start3A_18 = arith.constant 1 : i32
    %dma_start3A_19 = arith.constant 1 : i32
    %dma_start3A_20 = arith.constant 0 : i32
    %dma_start3A_21 = tpu.memref_slice %arg6[%dma_start3A_18, %dma_start3A_20] : memref<4x12800xi32, #tpu.memory_space<vmem>> -> memref<1x12800xi32, #tpu.memory_space<vmem>>
    %dma_start3A_22 = tpu.memref_squeeze %dma_start3A_21 : memref<1x12800xi32, #tpu.memory_space<vmem>> -> memref<12800xi32, #tpu.memory_space<vmem>>
    %dma_start3A_23 = tpu.memref_slice %arg2[%add3A_17] : memref<3276800xi32, #tpu.memory_space<hbm>> -> memref<12800xi32, #tpu.memory_space<hbm>>
    %dma_start3A_24 = tpu.memref_slice %arg8[%dma_start3A_19] : memref<4x!tpu.dma_semaphore, #tpu.memory_space<semaphore_mem>> -> memref<1x!tpu.dma_semaphore, #tpu.memory_space<semaphore_mem>>
    %dma_start3A_25 = tpu.memref_squeeze %dma_start3A_24 : memref<1x!tpu.dma_semaphore, #tpu.memory_space<semaphore_mem>> -> memref<!tpu.dma_semaphore, #tpu.memory_space<semaphore_mem>>
    %dma_start3A_26 = arith.constant 0 : i32
    %dma_start3A_27 = tpu.memref_slice %arg6[%dma_start3A_18, %dma_start3A_26] : memref<4x12800xi32, #tpu.memory_space<vmem>> -> memref<1x12800xi32, #tpu.memory_space<vmem>>
    %dma_start3A_28 = tpu.memref_squeeze %dma_start3A_27 : memref<1x12800xi32, #tpu.memory_space<vmem>> -> memref<12800xi32, #tpu.memory_space<vmem>>
    %dma_start3A_29 = tpu.memref_slice %arg2[%add3A_17] : memref<3276800xi32, #tpu.memory_space<hbm>> -> memref<12800xi32, #tpu.memory_space<hbm>>
    tpu.enqueue_dma source(%dma_start3A_29 : memref<12800xi32, #tpu.memory_space<hbm>>) target(%dma_start3A_28 : memref<12800xi32, #tpu.memory_space<vmem>>) target_semaphore(%dma_start3A_25 : memref<!tpu.dma_semaphore, #tpu.memory_space<semaphore_mem>>)
    %add3A_30 = arith.constant 25600 : i32
    %add3A_31 = arith.addi %mul3A_2, %add3A_30 : i32
    %dma_start3A_32 = arith.constant 2 : i32
    %dma_start3A_33 = arith.constant 2 : i32
    %dma_start3A_34 = arith.constant 0 : i32
    %dma_start3A_35 = tpu.memref_slice %arg6[%dma_start3A_32, %dma_start3A_34] : memref<4x12800xi32, #tpu.memory_space<vmem>> -> memref<1x12800xi32, #tpu.memory_space<vmem>>
    %dma_start3A_36 = tpu.memref_squeeze %dma_start3A_35 : memref<1x12800xi32, #tpu.memory_space<vmem>> -> memref<12800xi32, #tpu.memory_space<vmem>>
    %dma_start3A_37 = tpu.memref_slice %arg2[%add3A_31] : memref<3276800xi32, #tpu.memory_space<hbm>> -> memref<12800xi32, #tpu.memory_space<hbm>>
    %dma_start3A_38 = tpu.memref_slice %arg8[%dma_start3A_33] : memref<4x!tpu.dma_semaphore, #tpu.memory_space<semaphore_mem>> -> memref<1x!tpu.dma_semaphore, #tpu.memory_space<semaphore_mem>>
    %dma_start3A_39 = tpu.memref_squeeze %dma_start3A_38 : memref<1x!tpu.dma_semaphore, #tpu.memory_space<semaphore_mem>> -> memref<!tpu.dma_semaphore, #tpu.memory_space<semaphore_mem>>
    %dma_start3A_40 = arith.constant 0 : i32
    %dma_start3A_41 = tpu.memref_slice %arg6[%dma_start3A_32, %dma_start3A_40] : memref<4x12800xi32, #tpu.memory_space<vmem>> -> memref<1x12800xi32, #tpu.memory_space<vmem>>
    %dma_start3A_42 = tpu.memref_squeeze %dma_start3A_41 : memref<1x12800xi32, #tpu.memory_space<vmem>> -> memref<12800xi32, #tpu.memory_space<vmem>>
    %dma_start3A_43 = tpu.memref_slice %arg2[%add3A_31] : memref<3276800xi32, #tpu.memory_space<hbm>> -> memref<12800xi32, #tpu.memory_space<hbm>>
    tpu.enqueue_dma source(%dma_start3A_43 : memref<12800xi32, #tpu.memory_space<hbm>>) target(%dma_start3A_42 : memref<12800xi32, #tpu.memory_space<vmem>>) target_semaphore(%dma_start3A_39 : memref<!tpu.dma_semaphore, #tpu.memory_space<semaphore_mem>>)
    %add3A_44 = arith.constant 38400 : i32
    %add3A_45 = arith.addi %mul3A_2, %add3A_44 : i32
    %dma_start3A_46 = arith.constant 3 : i32
    %dma_start3A_47 = arith.constant 3 : i32
    %dma_start3A_48 = arith.constant 0 : i32
    %dma_start3A_49 = tpu.memref_slice %arg6[%dma_start3A_46, %dma_start3A_48] : memref<4x12800xi32, #tpu.memory_space<vmem>> -> memref<1x12800xi32, #tpu.memory_space<vmem>>
    %dma_start3A_50 = tpu.memref_squeeze %dma_start3A_49 : memref<1x12800xi32, #tpu.memory_space<vmem>> -> memref<12800xi32, #tpu.memory_space<vmem>>
    %dma_start3A_51 = tpu.memref_slice %arg2[%add3A_45] : memref<3276800xi32, #tpu.memory_space<hbm>> -> memref<12800xi32, #tpu.memory_space<hbm>>
    %dma_start3A_52 = tpu.memref_slice %arg8[%dma_start3A_47] : memref<4x!tpu.dma_semaphore, #tpu.memory_space<semaphore_mem>> -> memref<1x!tpu.dma_semaphore, #tpu.memory_space<semaphore_mem>>
    %dma_start3A_53 = tpu.memref_squeeze %dma_start3A_52 : memref<1x!tpu.dma_semaphore, #tpu.memory_space<semaphore_mem>> -> memref<!tpu.dma_semaphore, #tpu.memory_space<semaphore_mem>>
    %dma_start3A_54 = arith.constant 0 : i32
    %dma_start3A_55 = tpu.memref_slice %arg6[%dma_start3A_46, %dma_start3A_54] : memref<4x12800xi32, #tpu.memory_space<vmem>> -> memref<1x12800xi32, #tpu.memory_space<vmem>>
    %dma_start3A_56 = tpu.memref_squeeze %dma_start3A_55 : memref<1x12800xi32, #tpu.memory_space<vmem>> -> memref<12800xi32, #tpu.memory_space<vmem>>
    %dma_start3A_57 = tpu.memref_slice %arg2[%add3A_45] : memref<3276800xi32, #tpu.memory_space<hbm>> -> memref<12800xi32, #tpu.memory_space<hbm>>
    tpu.enqueue_dma source(%dma_start3A_57 : memref<12800xi32, #tpu.memory_space<hbm>>) target(%dma_start3A_56 : memref<12800xi32, #tpu.memory_space<vmem>>) target_semaphore(%dma_start3A_53 : memref<!tpu.dma_semaphore, #tpu.memory_space<semaphore_mem>>)
    tpu.wait_dma2 semaphore(%arg10 : memref<!tpu.dma_semaphore, #tpu.memory_space<semaphore_mem>>) src(%arg3 : memref<200xf32, #tpu.memory_space<hbm>>) dst(%arg5 : memref<200xf32, #tpu.memory_space<vmem>>)
    %dma_wait3A = arith.constant 0 : i32
    %dma_wait3A_58 = arith.constant 0 : i32
    %dma_wait3A_59 = arith.constant 0 : i32
    %dma_wait3A_60 = tpu.memref_slice %arg6[%dma_wait3A, %dma_wait3A_59] : memref<4x12800xi32, #tpu.memory_space<vmem>> -> memref<1x12800xi32, #tpu.memory_space<vmem>>
    %dma_wait3A_61 = tpu.memref_squeeze %dma_wait3A_60 : memref<1x12800xi32, #tpu.memory_space<vmem>> -> memref<12800xi32, #tpu.memory_space<vmem>>
    %dma_wait3A_62 = tpu.memref_slice %arg2[%add3A_4] : memref<3276800xi32, #tpu.memory_space<hbm>> -> memref<12800xi32, #tpu.memory_space<hbm>>
    %dma_wait3A_63 = tpu.memref_slice %arg8[%dma_wait3A_58] : memref<4x!tpu.dma_semaphore, #tpu.memory_space<semaphore_mem>> -> memref<1x!tpu.dma_semaphore, #tpu.memory_space<semaphore_mem>>
    %dma_wait3A_64 = tpu.memref_squeeze %dma_wait3A_63 : memref<1x!tpu.dma_semaphore, #tpu.memory_space<semaphore_mem>> -> memref<!tpu.dma_semaphore, #tpu.memory_space<semaphore_mem>>
    %dma_wait3A_65 = arith.constant 0 : i32
    %dma_wait3A_66 = tpu.memref_slice %arg6[%dma_wait3A, %dma_wait3A_65] : memref<4x12800xi32, #tpu.memory_space<vmem>> -> memref<1x12800xi32, #tpu.memory_space<vmem>>
    %dma_wait3A_67 = tpu.memref_squeeze %dma_wait3A_66 : memref<1x12800xi32, #tpu.memory_space<vmem>> -> memref<12800xi32, #tpu.memory_space<vmem>>
    %dma_wait3A_68 = tpu.memref_slice %arg2[%add3A_4] : memref<3276800xi32, #tpu.memory_space<hbm>> -> memref<12800xi32, #tpu.memory_space<hbm>>
    tpu.wait_dma2 semaphore(%dma_wait3A_64 : memref<!tpu.dma_semaphore, #tpu.memory_space<semaphore_mem>>) src(%dma_wait3A_68 : memref<12800xi32, #tpu.memory_space<hbm>>) dst(%dma_wait3A_67 : memref<12800xi32, #tpu.memory_space<vmem>>)
    %parallel_loop3A = arith.constant 0 : i32
    %parallel_loop3A_69 = arith.constant 800 : i32
    %parallel_loop3A_70 = arith.constant 1 : i32
    scf.for %parallel_loop3A_440 = %parallel_loop3A to %parallel_loop3A_69 step %parallel_loop3A_70  : i32 {
      %parallel_loop3A_441 = arith.constant 16 : i32
      %parallel_loop3A_442 = arith.muli %parallel_loop3A_440, %parallel_loop3A_441 : i32
      %parallel_loop3A_443 = arith.constant 0 : i32
      %parallel_loop3A_444 = arith.index_cast %parallel_loop3A_443 : i32 to index
      %parallel_loop3A_445 = arith.index_cast %parallel_loop3A_442 : i32 to index
      %parallel_loop3A_446 = tpu.vector_load %arg6[%parallel_loop3A_444, %parallel_loop3A_445] {strides = array<i32>} : memref<4x12800xi32, #tpu.memory_space<vmem>>, vector<16xi32>,
      %parallel_loop3A_447 = tpu.vector_load_idx %arg5[%parallel_loop3A_446] : memref<200xf32, #tpu.memory_space<vmem>>[vector<16xi32>], vector<16xf32>,
      %parallel_loop3A_448 = arith.constant 0 : i32
      %parallel_loop3A_449 = arith.index_cast %parallel_loop3A_448 : i32 to index
      %parallel_loop3A_450 = arith.index_cast %parallel_loop3A_442 : i32 to index
      %parallel_loop3A_451 = tpu.vector_load %arg7[%parallel_loop3A_449, %parallel_loop3A_450] {strides = array<i32>} : memref<4x12800xf32, #tpu.memory_space<vmem>>, vector<16xf32>,
      tpu.vector_store %arg7[%parallel_loop3A_449, %parallel_loop3A_450], %parallel_loop3A_447 {strides = array<i32>} : memref<4x12800xf32, #tpu.memory_space<vmem>>, vector<16xf32>,
    } {sc.loop_unroll_factor = 16 : i64, sc.parallel_access}
    %add3A_71 = arith.constant 0 : i32
    %add3A_72 = arith.addi %mul3A_2, %add3A_71 : i32
    %dma_start3A_73 = arith.constant 0 : i32
    %dma_start3A_74 = arith.constant 0 : i32
    %dma_start3A_75 = arith.constant 0 : i32
    %dma_start3A_76 = tpu.memref_slice %arg7[%dma_start3A_73, %dma_start3A_75] : memref<4x12800xf32, #tpu.memory_space<vmem>> -> memref<1x12800xf32, #tpu.memory_space<vmem>>
    %dma_start3A_77 = tpu.memref_squeeze %dma_start3A_76 : memref<1x12800xf32, #tpu.memory_space<vmem>> -> memref<12800xf32, #tpu.memory_space<vmem>>
    %dma_start3A_78 = tpu.memref_slice %arg4[%add3A_72] : memref<3276800xf32, #tpu.memory_space<hbm>> -> memref<12800xf32, #tpu.memory_space<hbm>>
    %dma_start3A_79 = tpu.memref_slice %arg9[%dma_start3A_74] : memref<4x!tpu.dma_semaphore, #tpu.memory_space<semaphore_mem>> -> memref<1x!tpu.dma_semaphore, #tpu.memory_space<semaphore_mem>>
    %dma_start3A_80 = tpu.memref_squeeze %dma_start3A_79 : memref<1x!tpu.dma_semaphore, #tpu.memory_space<semaphore_mem>> -> memref<!tpu.dma_semaphore, #tpu.memory_space<semaphore_mem>>
    %dma_start3A_81 = tpu.memref_slice %arg4[%add3A_72] : memref<3276800xf32, #tpu.memory_space<hbm>> -> memref<12800xf32, #tpu.memory_space<hbm>>
    %dma_start3A_82 = arith.constant 0 : i32
    %dma_start3A_83 = tpu.memref_slice %arg7[%dma_start3A_73, %dma_start3A_82] : memref<4x12800xf32, #tpu.memory_space<vmem>> -> memref<1x12800xf32, #tpu.memory_space<vmem>>
    %dma_start3A_84 = tpu.memref_squeeze %dma_start3A_83 : memref<1x12800xf32, #tpu.memory_space<vmem>> -> memref<12800xf32, #tpu.memory_space<vmem>>
    tpu.enqueue_dma source(%dma_start3A_84 : memref<12800xf32, #tpu.memory_space<vmem>>) target(%dma_start3A_81 : memref<12800xf32, #tpu.memory_space<hbm>>) target_semaphore(%dma_start3A_80 : memref<!tpu.dma_semaphore, #tpu.memory_space<semaphore_mem>>)
    %add3A_85 = arith.constant 51200 : i32
    %add3A_86 = arith.addi %mul3A_2, %add3A_85 : i32
    %dma_start3A_87 = arith.constant 0 : i32
    %dma_start3A_88 = arith.constant 0 : i32
    %dma_start3A_89 = arith.constant 0 : i32
    %dma_start3A_90 = tpu.memref_slice %arg6[%dma_start3A_87, %dma_start3A_89] : memref<4x12800xi32, #tpu.memory_space<vmem>> -> memref<1x12800xi32, #tpu.memory_space<vmem>>
    %dma_start3A_91 = tpu.memref_squeeze %dma_start3A_90 : memref<1x12800xi32, #tpu.memory_space<vmem>> -> memref<12800xi32, #tpu.memory_space<vmem>>
    %dma_start3A_92 = tpu.memref_slice %arg2[%add3A_86] : memref<3276800xi32, #tpu.memory_space<hbm>> -> memref<12800xi32, #tpu.memory_space<hbm>>
    %dma_start3A_93 = tpu.memref_slice %arg8[%dma_start3A_88] : memref<4x!tpu.dma_semaphore, #tpu.memory_space<semaphore_mem>> -> memref<1x!tpu.dma_semaphore, #tpu.memory_space<semaphore_mem>>
    %dma_start3A_94 = tpu.memref_squeeze %dma_start3A_93 : memref<1x!tpu.dma_semaphore, #tpu.memory_space<semaphore_mem>> -> memref<!tpu.dma_semaphore, #tpu.memory_space<semaphore_mem>>
    %dma_start3A_95 = arith.constant 0 : i32
    %dma_start3A_96 = tpu.memref_slice %arg6[%dma_start3A_87, %dma_start3A_95] : memref<4x12800xi32, #tpu.memory_space<vmem>> -> memref<1x12800xi32, #tpu.memory_space<vmem>>
    %dma_start3A_97 = tpu.memref_squeeze %dma_start3A_96 : memref<1x12800xi32, #tpu.memory_space<vmem>> -> memref<12800xi32, #tpu.memory_space<vmem>>
    %dma_start3A_98 = tpu.memref_slice %arg2[%add3A_86] : memref<3276800xi32, #tpu.memory_space<hbm>> -> memref<12800xi32, #tpu.memory_space<hbm>>
    tpu.enqueue_dma source(%dma_start3A_98 : memref<12800xi32, #tpu.memory_space<hbm>>) target(%dma_start3A_97 : memref<12800xi32, #tpu.memory_space<vmem>>) target_semaphore(%dma_start3A_94 : memref<!tpu.dma_semaphore, #tpu.memory_space<semaphore_mem>>)
    %dma_wait3A_99 = arith.constant 1 : i32
    %dma_wait3A_100 = arith.constant 1 : i32
    %dma_wait3A_101 = arith.constant 0 : i32
    %dma_wait3A_102 = tpu.memref_slice %arg6[%dma_wait3A_99, %dma_wait3A_101] : memref<4x12800xi32, #tpu.memory_space<vmem>> -> memref<1x12800xi32, #tpu.memory_space<vmem>>
    %dma_wait3A_103 = tpu.memref_squeeze %dma_wait3A_102 : memref<1x12800xi32, #tpu.memory_space<vmem>> -> memref<12800xi32, #tpu.memory_space<vmem>>
    %dma_wait3A_104 = tpu.memref_slice %arg2[%add3A_17] : memref<3276800xi32, #tpu.memory_space<hbm>> -> memref<12800xi32, #tpu.memory_space<hbm>>
    %dma_wait3A_105 = tpu.memref_slice %arg8[%dma_wait3A_100] : memref<4x!tpu.dma_semaphore, #tpu.memory_space<semaphore_mem>> -> memref<1x!tpu.dma_semaphore, #tpu.memory_space<semaphore_mem>>
    %dma_wait3A_106 = tpu.memref_squeeze %dma_wait3A_105 : memref<1x!tpu.dma_semaphore, #tpu.memory_space<semaphore_mem>> -> memref<!tpu.dma_semaphore, #tpu.memory_space<semaphore_mem>>
    %dma_wait3A_107 = arith.constant 0 : i32
    %dma_wait3A_108 = tpu.memref_slice %arg6[%dma_wait3A_99, %dma_wait3A_107] : memref<4x12800xi32, #tpu.memory_space<vmem>> -> memref<1x12800xi32, #tpu.memory_space<vmem>>
    %dma_wait3A_109 = tpu.memref_squeeze %dma_wait3A_108 : memref<1x12800xi32, #tpu.memory_space<vmem>> -> memref<12800xi32, #tpu.memory_space<vmem>>
    %dma_wait3A_110 = tpu.memref_slice %arg2[%add3A_17] : memref<3276800xi32, #tpu.memory_space<hbm>> -> memref<12800xi32, #tpu.memory_space<hbm>>
    tpu.wait_dma2 semaphore(%dma_wait3A_106 : memref<!tpu.dma_semaphore, #tpu.memory_space<semaphore_mem>>) src(%dma_wait3A_110 : memref<12800xi32, #tpu.memory_space<hbm>>) dst(%dma_wait3A_109 : memref<12800xi32, #tpu.memory_space<vmem>>)
    %parallel_loop3A_111 = arith.constant 0 : i32
    %parallel_loop3A_112 = arith.constant 800 : i32
    %parallel_loop3A_113 = arith.constant 1 : i32
    scf.for %parallel_loop3A_440 = %parallel_loop3A_111 to %parallel_loop3A_112 step %parallel_loop3A_113  : i32 {
      %parallel_loop3A_441 = arith.constant 16 : i32
      %parallel_loop3A_442 = arith.muli %parallel_loop3A_440, %parallel_loop3A_441 : i32
      %parallel_loop3A_443 = arith.constant 1 : i32
      %parallel_loop3A_444 = arith.index_cast %parallel_loop3A_443 : i32 to index
      %parallel_loop3A_445 = arith.index_cast %parallel_loop3A_442 : i32 to index
      %parallel_loop3A_446 = tpu.vector_load %arg6[%parallel_loop3A_444, %parallel_loop3A_445] {strides = array<i32>} : memref<4x12800xi32, #tpu.memory_space<vmem>>, vector<16xi32>,
      %parallel_loop3A_447 = tpu.vector_load_idx %arg5[%parallel_loop3A_446] : memref<200xf32, #tpu.memory_space<vmem>>[vector<16xi32>], vector<16xf32>,
      %parallel_loop3A_448 = arith.constant 1 : i32
      %parallel_loop3A_449 = arith.index_cast %parallel_loop3A_448 : i32 to index
      %parallel_loop3A_450 = arith.index_cast %parallel_loop3A_442 : i32 to index
      %parallel_loop3A_451 = tpu.vector_load %arg7[%parallel_loop3A_449, %parallel_loop3A_450] {strides = array<i32>} : memref<4x12800xf32, #tpu.memory_space<vmem>>, vector<16xf32>,
      tpu.vector_store %arg7[%parallel_loop3A_449, %parallel_loop3A_450], %parallel_loop3A_447 {strides = array<i32>} : memref<4x12800xf32, #tpu.memory_space<vmem>>, vector<16xf32>,
    } {sc.loop_unroll_factor = 16 : i64, sc.parallel_access}
    %add3A_114 = arith.constant 12800 : i32
    %add3A_115 = arith.addi %mul3A_2, %add3A_114 : i32
    %dma_start3A_116 = arith.constant 1 : i32
    %dma_start3A_117 = arith.constant 1 : i32
    %dma_start3A_118 = arith.constant 0 : i32
    %dma_start3A_119 = tpu.memref_slice %arg7[%dma_start3A_116, %dma_start3A_118] : memref<4x12800xf32, #tpu.memory_space<vmem>> -> memref<1x12800xf32, #tpu.memory_space<vmem>>
    %dma_start3A_120 = tpu.memref_squeeze %dma_start3A_119 : memref<1x12800xf32, #tpu.memory_space<vmem>> -> memref<12800xf32, #tpu.memory_space<vmem>>
    %dma_start3A_121 = tpu.memref_slice %arg4[%add3A_115] : memref<3276800xf32, #tpu.memory_space<hbm>> -> memref<12800xf32, #tpu.memory_space<hbm>>
    %dma_start3A_122 = tpu.memref_slice %arg9[%dma_start3A_117] : memref<4x!tpu.dma_semaphore, #tpu.memory_space<semaphore_mem>> -> memref<1x!tpu.dma_semaphore, #tpu.memory_space<semaphore_mem>>
    %dma_start3A_123 = tpu.memref_squeeze %dma_start3A_122 : memref<1x!tpu.dma_semaphore, #tpu.memory_space<semaphore_mem>> -> memref<!tpu.dma_semaphore, #tpu.memory_space<semaphore_mem>>
    %dma_start3A_124 = tpu.memref_slice %arg4[%add3A_115] : memref<3276800xf32, #tpu.memory_space<hbm>> -> memref<12800xf32, #tpu.memory_space<hbm>>
    %dma_start3A_125 = arith.constant 0 : i32
    %dma_start3A_126 = tpu.memref_slice %arg7[%dma_start3A_116, %dma_start3A_125] : memref<4x12800xf32, #tpu.memory_space<vmem>> -> memref<1x12800xf32, #tpu.memory_space<vmem>>
    %dma_start3A_127 = tpu.memref_squeeze %dma_start3A_126 : memref<1x12800xf32, #tpu.memory_space<vmem>> -> memref<12800xf32, #tpu.memory_space<vmem>>
    tpu.enqueue_dma source(%dma_start3A_127 : memref<12800xf32, #tpu.memory_space<vmem>>) target(%dma_start3A_124 : memref<12800xf32, #tpu.memory_space<hbm>>) target_semaphore(%dma_start3A_123 : memref<!tpu.dma_semaphore, #tpu.memory_space<semaphore_mem>>)
    %add3A_128 = arith.constant 64000 : i32
    %add3A_129 = arith.addi %mul3A_2, %add3A_128 : i32
    %dma_start3A_130 = arith.constant 1 : i32
    %dma_start3A_131 = arith.constant 1 : i32
    %dma_start3A_132 = arith.constant 0 : i32
    %dma_start3A_133 = tpu.memref_slice %arg6[%dma_start3A_130, %dma_start3A_132] : memref<4x12800xi32, #tpu.memory_space<vmem>> -> memref<1x12800xi32, #tpu.memory_space<vmem>>
    %dma_start3A_134 = tpu.memref_squeeze %dma_start3A_133 : memref<1x12800xi32, #tpu.memory_space<vmem>> -> memref<12800xi32, #tpu.memory_space<vmem>>
    %dma_start3A_135 = tpu.memref_slice %arg2[%add3A_129] : memref<3276800xi32, #tpu.memory_space<hbm>> -> memref<12800xi32, #tpu.memory_space<hbm>>
    %dma_start3A_136 = tpu.memref_slice %arg8[%dma_start3A_131] : memref<4x!tpu.dma_semaphore, #tpu.memory_space<semaphore_mem>> -> memref<1x!tpu.dma_semaphore, #tpu.memory_space<semaphore_mem>>
    %dma_start3A_137 = tpu.memref_squeeze %dma_start3A_136 : memref<1x!tpu.dma_semaphore, #tpu.memory_space<semaphore_mem>> -> memref<!tpu.dma_semaphore, #tpu.memory_space<semaphore_mem>>
    %dma_start3A_138 = arith.constant 0 : i32
    %dma_start3A_139 = tpu.memref_slice %arg6[%dma_start3A_130, %dma_start3A_138] : memref<4x12800xi32, #tpu.memory_space<vmem>> -> memref<1x12800xi32, #tpu.memory_space<vmem>>
    %dma_start3A_140 = tpu.memref_squeeze %dma_start3A_139 : memref<1x12800xi32, #tpu.memory_space<vmem>> -> memref<12800xi32, #tpu.memory_space<vmem>>
    %dma_start3A_141 = tpu.memref_slice %arg2[%add3A_129] : memref<3276800xi32, #tpu.memory_space<hbm>> -> memref<12800xi32, #tpu.memory_space<hbm>>
    tpu.enqueue_dma source(%dma_start3A_141 : memref<12800xi32, #tpu.memory_space<hbm>>) target(%dma_start3A_140 : memref<12800xi32, #tpu.memory_space<vmem>>) target_semaphore(%dma_start3A_137 : memref<!tpu.dma_semaphore, #tpu.memory_space<semaphore_mem>>)
    %dma_wait3A_142 = arith.constant 2 : i32
    %dma_wait3A_143 = arith.constant 2 : i32
    %dma_wait3A_144 = arith.constant 0 : i32
    %dma_wait3A_145 = tpu.memref_slice %arg6[%dma_wait3A_142, %dma_wait3A_144] : memref<4x12800xi32, #tpu.memory_space<vmem>> -> memref<1x12800xi32, #tpu.memory_space<vmem>>
    %dma_wait3A_146 = tpu.memref_squeeze %dma_wait3A_145 : memref<1x12800xi32, #tpu.memory_space<vmem>> -> memref<12800xi32, #tpu.memory_space<vmem>>
    %dma_wait3A_147 = tpu.memref_slice %arg2[%add3A_31] : memref<3276800xi32, #tpu.memory_space<hbm>> -> memref<12800xi32, #tpu.memory_space<hbm>>
    %dma_wait3A_148 = tpu.memref_slice %arg8[%dma_wait3A_143] : memref<4x!tpu.dma_semaphore, #tpu.memory_space<semaphore_mem>> -> memref<1x!tpu.dma_semaphore, #tpu.memory_space<semaphore_mem>>
    %dma_wait3A_149 = tpu.memref_squeeze %dma_wait3A_148 : memref<1x!tpu.dma_semaphore, #tpu.memory_space<semaphore_mem>> -> memref<!tpu.dma_semaphore, #tpu.memory_space<semaphore_mem>>
    %dma_wait3A_150 = arith.constant 0 : i32
    %dma_wait3A_151 = tpu.memref_slice %arg6[%dma_wait3A_142, %dma_wait3A_150] : memref<4x12800xi32, #tpu.memory_space<vmem>> -> memref<1x12800xi32, #tpu.memory_space<vmem>>
    %dma_wait3A_152 = tpu.memref_squeeze %dma_wait3A_151 : memref<1x12800xi32, #tpu.memory_space<vmem>> -> memref<12800xi32, #tpu.memory_space<vmem>>
    %dma_wait3A_153 = tpu.memref_slice %arg2[%add3A_31] : memref<3276800xi32, #tpu.memory_space<hbm>> -> memref<12800xi32, #tpu.memory_space<hbm>>
    tpu.wait_dma2 semaphore(%dma_wait3A_149 : memref<!tpu.dma_semaphore, #tpu.memory_space<semaphore_mem>>) src(%dma_wait3A_153 : memref<12800xi32, #tpu.memory_space<hbm>>) dst(%dma_wait3A_152 : memref<12800xi32, #tpu.memory_space<vmem>>)
    %parallel_loop3A_154 = arith.constant 0 : i32
    %parallel_loop3A_155 = arith.constant 800 : i32
    %parallel_loop3A_156 = arith.constant 1 : i32
    scf.for %parallel_loop3A_440 = %parallel_loop3A_154 to %parallel_loop3A_155 step %parallel_loop3A_156  : i32 {
      %parallel_loop3A_441 = arith.constant 16 : i32
      %parallel_loop3A_442 = arith.muli %parallel_loop3A_440, %parallel_loop3A_441 : i32
      %parallel_loop3A_443 = arith.constant 2 : i32
      %parallel_loop3A_444 = arith.index_cast %parallel_loop3A_443 : i32 to index
      %parallel_loop3A_445 = arith.index_cast %parallel_loop3A_442 : i32 to index
      %parallel_loop3A_446 = tpu.vector_load %arg6[%parallel_loop3A_444, %parallel_loop3A_445] {strides = array<i32>} : memref<4x12800xi32, #tpu.memory_space<vmem>>, vector<16xi32>,
      %parallel_loop3A_447 = tpu.vector_load_idx %arg5[%parallel_loop3A_446] : memref<200xf32, #tpu.memory_space<vmem>>[vector<16xi32>], vector<16xf32>,
      %parallel_loop3A_448 = arith.constant 2 : i32
      %parallel_loop3A_449 = arith.index_cast %parallel_loop3A_448 : i32 to index
      %parallel_loop3A_450 = arith.index_cast %parallel_loop3A_442 : i32 to index
      %parallel_loop3A_451 = tpu.vector_load %arg7[%parallel_loop3A_449, %parallel_loop3A_450] {strides = array<i32>} : memref<4x12800xf32, #tpu.memory_space<vmem>>, vector<16xf32>,
      tpu.vector_store %arg7[%parallel_loop3A_449, %parallel_loop3A_450], %parallel_loop3A_447 {strides = array<i32>} : memref<4x12800xf32, #tpu.memory_space<vmem>>, vector<16xf32>,
    } {sc.loop_unroll_factor = 16 : i64, sc.parallel_access}
    %add3A_157 = arith.constant 25600 : i32
    %add3A_158 = arith.addi %mul3A_2, %add3A_157 : i32
    %dma_start3A_159 = arith.constant 2 : i32
    %dma_start3A_160 = arith.constant 2 : i32
    %dma_start3A_161 = arith.constant 0 : i32
    %dma_start3A_162 = tpu.memref_slice %arg7[%dma_start3A_159, %dma_start3A_161] : memref<4x12800xf32, #tpu.memory_space<vmem>> -> memref<1x12800xf32, #tpu.memory_space<vmem>>
    %dma_start3A_163 = tpu.memref_squeeze %dma_start3A_162 : memref<1x12800xf32, #tpu.memory_space<vmem>> -> memref<12800xf32, #tpu.memory_space<vmem>>
    %dma_start3A_164 = tpu.memref_slice %arg4[%add3A_158] : memref<3276800xf32, #tpu.memory_space<hbm>> -> memref<12800xf32, #tpu.memory_space<hbm>>
    %dma_start3A_165 = tpu.memref_slice %arg9[%dma_start3A_160] : memref<4x!tpu.dma_semaphore, #tpu.memory_space<semaphore_mem>> -> memref<1x!tpu.dma_semaphore, #tpu.memory_space<semaphore_mem>>
    %dma_start3A_166 = tpu.memref_squeeze %dma_start3A_165 : memref<1x!tpu.dma_semaphore, #tpu.memory_space<semaphore_mem>> -> memref<!tpu.dma_semaphore, #tpu.memory_space<semaphore_mem>>
    %dma_start3A_167 = tpu.memref_slice %arg4[%add3A_158] : memref<3276800xf32, #tpu.memory_space<hbm>> -> memref<12800xf32, #tpu.memory_space<hbm>>
    %dma_start3A_168 = arith.constant 0 : i32
    %dma_start3A_169 = tpu.memref_slice %arg7[%dma_start3A_159, %dma_start3A_168] : memref<4x12800xf32, #tpu.memory_space<vmem>> -> memref<1x12800xf32, #tpu.memory_space<vmem>>
    %dma_start3A_170 = tpu.memref_squeeze %dma_start3A_169 : memref<1x12800xf32, #tpu.memory_space<vmem>> -> memref<12800xf32, #tpu.memory_space<vmem>>
    tpu.enqueue_dma source(%dma_start3A_170 : memref<12800xf32, #tpu.memory_space<vmem>>) target(%dma_start3A_167 : memref<12800xf32, #tpu.memory_space<hbm>>) target_semaphore(%dma_start3A_166 : memref<!tpu.dma_semaphore, #tpu.memory_space<semaphore_mem>>)
    %add3A_171 = arith.constant 76800 : i32
    %add3A_172 = arith.addi %mul3A_2, %add3A_171 : i32
    %dma_start3A_173 = arith.constant 2 : i32
    %dma_start3A_174 = arith.constant 2 : i32
    %dma_start3A_175 = arith.constant 0 : i32
    %dma_start3A_176 = tpu.memref_slice %arg6[%dma_start3A_173, %dma_start3A_175] : memref<4x12800xi32, #tpu.memory_space<vmem>> -> memref<1x12800xi32, #tpu.memory_space<vmem>>
    %dma_start3A_177 = tpu.memref_squeeze %dma_start3A_176 : memref<1x12800xi32, #tpu.memory_space<vmem>> -> memref<12800xi32, #tpu.memory_space<vmem>>
    %dma_start3A_178 = tpu.memref_slice %arg2[%add3A_172] : memref<3276800xi32, #tpu.memory_space<hbm>> -> memref<12800xi32, #tpu.memory_space<hbm>>
    %dma_start3A_179 = tpu.memref_slice %arg8[%dma_start3A_174] : memref<4x!tpu.dma_semaphore, #tpu.memory_space<semaphore_mem>> -> memref<1x!tpu.dma_semaphore, #tpu.memory_space<semaphore_mem>>
    %dma_start3A_180 = tpu.memref_squeeze %dma_start3A_179 : memref<1x!tpu.dma_semaphore, #tpu.memory_space<semaphore_mem>> -> memref<!tpu.dma_semaphore, #tpu.memory_space<semaphore_mem>>
    %dma_start3A_181 = arith.constant 0 : i32
    %dma_start3A_182 = tpu.memref_slice %arg6[%dma_start3A_173, %dma_start3A_181] : memref<4x12800xi32, #tpu.memory_space<vmem>> -> memref<1x12800xi32, #tpu.memory_space<vmem>>
    %dma_start3A_183 = tpu.memref_squeeze %dma_start3A_182 : memref<1x12800xi32, #tpu.memory_space<vmem>> -> memref<12800xi32, #tpu.memory_space<vmem>>
    %dma_start3A_184 = tpu.memref_slice %arg2[%add3A_172] : memref<3276800xi32, #tpu.memory_space<hbm>> -> memref<12800xi32, #tpu.memory_space<hbm>>
    tpu.enqueue_dma source(%dma_start3A_184 : memref<12800xi32, #tpu.memory_space<hbm>>) target(%dma_start3A_183 : memref<12800xi32, #tpu.memory_space<vmem>>) target_semaphore(%dma_start3A_180 : memref<!tpu.dma_semaphore, #tpu.memory_space<semaphore_mem>>)
    %dma_wait3A_185 = arith.constant 3 : i32
    %dma_wait3A_186 = arith.constant 3 : i32
    %dma_wait3A_187 = arith.constant 0 : i32
    %dma_wait3A_188 = tpu.memref_slice %arg6[%dma_wait3A_185, %dma_wait3A_187] : memref<4x12800xi32, #tpu.memory_space<vmem>> -> memref<1x12800xi32, #tpu.memory_space<vmem>>
    %dma_wait3A_189 = tpu.memref_squeeze %dma_wait3A_188 : memref<1x12800xi32, #tpu.memory_space<vmem>> -> memref<12800xi32, #tpu.memory_space<vmem>>
    %dma_wait3A_190 = tpu.memref_slice %arg2[%add3A_45] : memref<3276800xi32, #tpu.memory_space<hbm>> -> memref<12800xi32, #tpu.memory_space<hbm>>
    %dma_wait3A_191 = tpu.memref_slice %arg8[%dma_wait3A_186] : memref<4x!tpu.dma_semaphore, #tpu.memory_space<semaphore_mem>> -> memref<1x!tpu.dma_semaphore, #tpu.memory_space<semaphore_mem>>
    %dma_wait3A_192 = tpu.memref_squeeze %dma_wait3A_191 : memref<1x!tpu.dma_semaphore, #tpu.memory_space<semaphore_mem>> -> memref<!tpu.dma_semaphore, #tpu.memory_space<semaphore_mem>>
    %dma_wait3A_193 = arith.constant 0 : i32
    %dma_wait3A_194 = tpu.memref_slice %arg6[%dma_wait3A_185, %dma_wait3A_193] : memref<4x12800xi32, #tpu.memory_space<vmem>> -> memref<1x12800xi32, #tpu.memory_space<vmem>>
    %dma_wait3A_195 = tpu.memref_squeeze %dma_wait3A_194 : memref<1x12800xi32, #tpu.memory_space<vmem>> -> memref<12800xi32, #tpu.memory_space<vmem>>
    %dma_wait3A_196 = tpu.memref_slice %arg2[%add3A_45] : memref<3276800xi32, #tpu.memory_space<hbm>> -> memref<12800xi32, #tpu.memory_space<hbm>>
    tpu.wait_dma2 semaphore(%dma_wait3A_192 : memref<!tpu.dma_semaphore, #tpu.memory_space<semaphore_mem>>) src(%dma_wait3A_196 : memref<12800xi32, #tpu.memory_space<hbm>>) dst(%dma_wait3A_195 : memref<12800xi32, #tpu.memory_space<vmem>>)
    %parallel_loop3A_197 = arith.constant 0 : i32
    %parallel_loop3A_198 = arith.constant 800 : i32
    %parallel_loop3A_199 = arith.constant 1 : i32
    scf.for %parallel_loop3A_440 = %parallel_loop3A_197 to %parallel_loop3A_198 step %parallel_loop3A_199  : i32 {
      %parallel_loop3A_441 = arith.constant 16 : i32
      %parallel_loop3A_442 = arith.muli %parallel_loop3A_440, %parallel_loop3A_441 : i32
      %parallel_loop3A_443 = arith.constant 3 : i32
      %parallel_loop3A_444 = arith.index_cast %parallel_loop3A_443 : i32 to index
      %parallel_loop3A_445 = arith.index_cast %parallel_loop3A_442 : i32 to index
      %parallel_loop3A_446 = tpu.vector_load %arg6[%parallel_loop3A_444, %parallel_loop3A_445] {strides = array<i32>} : memref<4x12800xi32, #tpu.memory_space<vmem>>, vector<16xi32>,
      %parallel_loop3A_447 = tpu.vector_load_idx %arg5[%parallel_loop3A_446] : memref<200xf32, #tpu.memory_space<vmem>>[vector<16xi32>], vector<16xf32>,
      %parallel_loop3A_448 = arith.constant 3 : i32
      %parallel_loop3A_449 = arith.index_cast %parallel_loop3A_448 : i32 to index
      %parallel_loop3A_450 = arith.index_cast %parallel_loop3A_442 : i32 to index
      %parallel_loop3A_451 = tpu.vector_load %arg7[%parallel_loop3A_449, %parallel_loop3A_450] {strides = array<i32>} : memref<4x12800xf32, #tpu.memory_space<vmem>>, vector<16xf32>,
      tpu.vector_store %arg7[%parallel_loop3A_449, %parallel_loop3A_450], %parallel_loop3A_447 {strides = array<i32>} : memref<4x12800xf32, #tpu.memory_space<vmem>>, vector<16xf32>,
    } {sc.loop_unroll_factor = 16 : i64, sc.parallel_access}
    %add3A_200 = arith.constant 38400 : i32
    %add3A_201 = arith.addi %mul3A_2, %add3A_200 : i32
    %dma_start3A_202 = arith.constant 3 : i32
    %dma_start3A_203 = arith.constant 3 : i32
    %dma_start3A_204 = arith.constant 0 : i32
    %dma_start3A_205 = tpu.memref_slice %arg7[%dma_start3A_202, %dma_start3A_204] : memref<4x12800xf32, #tpu.memory_space<vmem>> -> memref<1x12800xf32, #tpu.memory_space<vmem>>
    %dma_start3A_206 = tpu.memref_squeeze %dma_start3A_205 : memref<1x12800xf32, #tpu.memory_space<vmem>> -> memref<12800xf32, #tpu.memory_space<vmem>>
    %dma_start3A_207 = tpu.memref_slice %arg4[%add3A_201] : memref<3276800xf32, #tpu.memory_space<hbm>> -> memref<12800xf32, #tpu.memory_space<hbm>>
    %dma_start3A_208 = tpu.memref_slice %arg9[%dma_start3A_203] : memref<4x!tpu.dma_semaphore, #tpu.memory_space<semaphore_mem>> -> memref<1x!tpu.dma_semaphore, #tpu.memory_space<semaphore_mem>>
    %dma_start3A_209 = tpu.memref_squeeze %dma_start3A_208 : memref<1x!tpu.dma_semaphore, #tpu.memory_space<semaphore_mem>> -> memref<!tpu.dma_semaphore, #tpu.memory_space<semaphore_mem>>
    %dma_start3A_210 = tpu.memref_slice %arg4[%add3A_201] : memref<3276800xf32, #tpu.memory_space<hbm>> -> memref<12800xf32, #tpu.memory_space<hbm>>
    %dma_start3A_211 = arith.constant 0 : i32
    %dma_start3A_212 = tpu.memref_slice %arg7[%dma_start3A_202, %dma_start3A_211] : memref<4x12800xf32, #tpu.memory_space<vmem>> -> memref<1x12800xf32, #tpu.memory_space<vmem>>
    %dma_start3A_213 = tpu.memref_squeeze %dma_start3A_212 : memref<1x12800xf32, #tpu.memory_space<vmem>> -> memref<12800xf32, #tpu.memory_space<vmem>>
    tpu.enqueue_dma source(%dma_start3A_213 : memref<12800xf32, #tpu.memory_space<vmem>>) target(%dma_start3A_210 : memref<12800xf32, #tpu.memory_space<hbm>>) target_semaphore(%dma_start3A_209 : memref<!tpu.dma_semaphore, #tpu.memory_space<semaphore_mem>>)
    %add3A_214 = arith.constant 89600 : i32
    %add3A_215 = arith.addi %mul3A_2, %add3A_214 : i32
    %dma_start3A_216 = arith.constant 3 : i32
    %dma_start3A_217 = arith.constant 3 : i32
    %dma_start3A_218 = arith.constant 0 : i32
    %dma_start3A_219 = tpu.memref_slice %arg6[%dma_start3A_216, %dma_start3A_218] : memref<4x12800xi32, #tpu.memory_space<vmem>> -> memref<1x12800xi32, #tpu.memory_space<vmem>>
    %dma_start3A_220 = tpu.memref_squeeze %dma_start3A_219 : memref<1x12800xi32, #tpu.memory_space<vmem>> -> memref<12800xi32, #tpu.memory_space<vmem>>
    %dma_start3A_221 = tpu.memref_slice %arg2[%add3A_215] : memref<3276800xi32, #tpu.memory_space<hbm>> -> memref<12800xi32, #tpu.memory_space<hbm>>
    %dma_start3A_222 = tpu.memref_slice %arg8[%dma_start3A_217] : memref<4x!tpu.dma_semaphore, #tpu.memory_space<semaphore_mem>> -> memref<1x!tpu.dma_semaphore, #tpu.memory_space<semaphore_mem>>
    %dma_start3A_223 = tpu.memref_squeeze %dma_start3A_222 : memref<1x!tpu.dma_semaphore, #tpu.memory_space<semaphore_mem>> -> memref<!tpu.dma_semaphore, #tpu.memory_space<semaphore_mem>>
    %dma_start3A_224 = arith.constant 0 : i32
    %dma_start3A_225 = tpu.memref_slice %arg6[%dma_start3A_216, %dma_start3A_224] : memref<4x12800xi32, #tpu.memory_space<vmem>> -> memref<1x12800xi32, #tpu.memory_space<vmem>>
    %dma_start3A_226 = tpu.memref_squeeze %dma_start3A_225 : memref<1x12800xi32, #tpu.memory_space<vmem>> -> memref<12800xi32, #tpu.memory_space<vmem>>
    %dma_start3A_227 = tpu.memref_slice %arg2[%add3A_215] : memref<3276800xi32, #tpu.memory_space<hbm>> -> memref<12800xi32, #tpu.memory_space<hbm>>
    tpu.enqueue_dma source(%dma_start3A_227 : memref<12800xi32, #tpu.memory_space<hbm>>) target(%dma_start3A_226 : memref<12800xi32, #tpu.memory_space<vmem>>) target_semaphore(%dma_start3A_223 : memref<!tpu.dma_semaphore, #tpu.memory_space<semaphore_mem>>)
    %dma_wait3A_228 = arith.constant 0 : i32
    %dma_wait3A_229 = arith.constant 0 : i32
    %dma_wait3A_230 = arith.constant 0 : i32
    %dma_wait3A_231 = tpu.memref_slice %arg6[%dma_wait3A_228, %dma_wait3A_230] : memref<4x12800xi32, #tpu.memory_space<vmem>> -> memref<1x12800xi32, #tpu.memory_space<vmem>>
    %dma_wait3A_232 = tpu.memref_squeeze %dma_wait3A_231 : memref<1x12800xi32, #tpu.memory_space<vmem>> -> memref<12800xi32, #tpu.memory_space<vmem>>
    %dma_wait3A_233 = tpu.memref_slice %arg2[%add3A_86] : memref<3276800xi32, #tpu.memory_space<hbm>> -> memref<12800xi32, #tpu.memory_space<hbm>>
    %dma_wait3A_234 = tpu.memref_slice %arg8[%dma_wait3A_229] : memref<4x!tpu.dma_semaphore, #tpu.memory_space<semaphore_mem>> -> memref<1x!tpu.dma_semaphore, #tpu.memory_space<semaphore_mem>>
    %dma_wait3A_235 = tpu.memref_squeeze %dma_wait3A_234 : memref<1x!tpu.dma_semaphore, #tpu.memory_space<semaphore_mem>> -> memref<!tpu.dma_semaphore, #tpu.memory_space<semaphore_mem>>
    %dma_wait3A_236 = arith.constant 0 : i32
    %dma_wait3A_237 = tpu.memref_slice %arg6[%dma_wait3A_228, %dma_wait3A_236] : memref<4x12800xi32, #tpu.memory_space<vmem>> -> memref<1x12800xi32, #tpu.memory_space<vmem>>
    %dma_wait3A_238 = tpu.memref_squeeze %dma_wait3A_237 : memref<1x12800xi32, #tpu.memory_space<vmem>> -> memref<12800xi32, #tpu.memory_space<vmem>>
    %dma_wait3A_239 = tpu.memref_slice %arg2[%add3A_86] : memref<3276800xi32, #tpu.memory_space<hbm>> -> memref<12800xi32, #tpu.memory_space<hbm>>
    tpu.wait_dma2 semaphore(%dma_wait3A_235 : memref<!tpu.dma_semaphore, #tpu.memory_space<semaphore_mem>>) src(%dma_wait3A_239 : memref<12800xi32, #tpu.memory_space<hbm>>) dst(%dma_wait3A_238 : memref<12800xi32, #tpu.memory_space<vmem>>)
    %dma_wait3A_240 = arith.constant 0 : i32
    %dma_wait3A_241 = arith.constant 0 : i32
    %dma_wait3A_242 = arith.constant 0 : i32
    %dma_wait3A_243 = tpu.memref_slice %arg7[%dma_wait3A_240, %dma_wait3A_242] : memref<4x12800xf32, #tpu.memory_space<vmem>> -> memref<1x12800xf32, #tpu.memory_space<vmem>>
    %dma_wait3A_244 = tpu.memref_squeeze %dma_wait3A_243 : memref<1x12800xf32, #tpu.memory_space<vmem>> -> memref<12800xf32, #tpu.memory_space<vmem>>
    %dma_wait3A_245 = tpu.memref_slice %arg4[%add3A_72] : memref<3276800xf32, #tpu.memory_space<hbm>> -> memref<12800xf32, #tpu.memory_space<hbm>>
    %dma_wait3A_246 = tpu.memref_slice %arg9[%dma_wait3A_241] : memref<4x!tpu.dma_semaphore, #tpu.memory_space<semaphore_mem>> -> memref<1x!tpu.dma_semaphore, #tpu.memory_space<semaphore_mem>>
    %dma_wait3A_247 = tpu.memref_squeeze %dma_wait3A_246 : memref<1x!tpu.dma_semaphore, #tpu.memory_space<semaphore_mem>> -> memref<!tpu.dma_semaphore, #tpu.memory_space<semaphore_mem>>
    %dma_wait3A_248 = tpu.memref_slice %arg4[%add3A_72] : memref<3276800xf32, #tpu.memory_space<hbm>> -> memref<12800xf32, #tpu.memory_space<hbm>>
    %dma_wait3A_249 = arith.constant 0 : i32
    %dma_wait3A_250 = tpu.memref_slice %arg7[%dma_wait3A_240, %dma_wait3A_249] : memref<4x12800xf32, #tpu.memory_space<vmem>> -> memref<1x12800xf32, #tpu.memory_space<vmem>>
    %dma_wait3A_251 = tpu.memref_squeeze %dma_wait3A_250 : memref<1x12800xf32, #tpu.memory_space<vmem>> -> memref<12800xf32, #tpu.memory_space<vmem>>
    tpu.wait_dma2 semaphore(%dma_wait3A_247 : memref<!tpu.dma_semaphore, #tpu.memory_space<semaphore_mem>>) src(%dma_wait3A_251 : memref<12800xf32, #tpu.memory_space<vmem>>) dst(%dma_wait3A_248 : memref<12800xf32, #tpu.memory_space<hbm>>)
    %parallel_loop3A_252 = arith.constant 0 : i32
    %parallel_loop3A_253 = arith.constant 800 : i32
    %parallel_loop3A_254 = arith.constant 1 : i32
    scf.for %parallel_loop3A_440 = %parallel_loop3A_252 to %parallel_loop3A_253 step %parallel_loop3A_254  : i32 {
      %parallel_loop3A_441 = arith.constant 16 : i32
      %parallel_loop3A_442 = arith.muli %parallel_loop3A_440, %parallel_loop3A_441 : i32
      %parallel_loop3A_443 = arith.constant 0 : i32
      %parallel_loop3A_444 = arith.index_cast %parallel_loop3A_443 : i32 to index
      %parallel_loop3A_445 = arith.index_cast %parallel_loop3A_442 : i32 to index
      %parallel_loop3A_446 = tpu.vector_load %arg6[%parallel_loop3A_444, %parallel_loop3A_445] {strides = array<i32>} : memref<4x12800xi32, #tpu.memory_space<vmem>>, vector<16xi32>,
      %parallel_loop3A_447 = tpu.vector_load_idx %arg5[%parallel_loop3A_446] : memref<200xf32, #tpu.memory_space<vmem>>[vector<16xi32>], vector<16xf32>,
      %parallel_loop3A_448 = arith.constant 0 : i32
      %parallel_loop3A_449 = arith.index_cast %parallel_loop3A_448 : i32 to index
      %parallel_loop3A_450 = arith.index_cast %parallel_loop3A_442 : i32 to index
      %parallel_loop3A_451 = tpu.vector_load %arg7[%parallel_loop3A_449, %parallel_loop3A_450] {strides = array<i32>} : memref<4x12800xf32, #tpu.memory_space<vmem>>, vector<16xf32>,
      tpu.vector_store %arg7[%parallel_loop3A_449, %parallel_loop3A_450], %parallel_loop3A_447 {strides = array<i32>} : memref<4x12800xf32, #tpu.memory_space<vmem>>, vector<16xf32>,
    } {sc.loop_unroll_factor = 16 : i64, sc.parallel_access}
    %add3A_255 = arith.constant 51200 : i32
    %add3A_256 = arith.addi %mul3A_2, %add3A_255 : i32
    %dma_start3A_257 = arith.constant 0 : i32
    %dma_start3A_258 = arith.constant 0 : i32
    %dma_start3A_259 = arith.constant 0 : i32
    %dma_start3A_260 = tpu.memref_slice %arg7[%dma_start3A_257, %dma_start3A_259] : memref<4x12800xf32, #tpu.memory_space<vmem>> -> memref<1x12800xf32, #tpu.memory_space<vmem>>
    %dma_start3A_261 = tpu.memref_squeeze %dma_start3A_260 : memref<1x12800xf32, #tpu.memory_space<vmem>> -> memref<12800xf32, #tpu.memory_space<vmem>>
    %dma_start3A_262 = tpu.memref_slice %arg4[%add3A_256] : memref<3276800xf32, #tpu.memory_space<hbm>> -> memref<12800xf32, #tpu.memory_space<hbm>>
    %dma_start3A_263 = tpu.memref_slice %arg9[%dma_start3A_258] : memref<4x!tpu.dma_semaphore, #tpu.memory_space<semaphore_mem>> -> memref<1x!tpu.dma_semaphore, #tpu.memory_space<semaphore_mem>>
    %dma_start3A_264 = tpu.memref_squeeze %dma_start3A_263 : memref<1x!tpu.dma_semaphore, #tpu.memory_space<semaphore_mem>> -> memref<!tpu.dma_semaphore, #tpu.memory_space<semaphore_mem>>
    %dma_start3A_265 = tpu.memref_slice %arg4[%add3A_256] : memref<3276800xf32, #tpu.memory_space<hbm>> -> memref<12800xf32, #tpu.memory_space<hbm>>
    %dma_start3A_266 = arith.constant 0 : i32
    %dma_start3A_267 = tpu.memref_slice %arg7[%dma_start3A_257, %dma_start3A_266] : memref<4x12800xf32, #tpu.memory_space<vmem>> -> memref<1x12800xf32, #tpu.memory_space<vmem>>
    %dma_start3A_268 = tpu.memref_squeeze %dma_start3A_267 : memref<1x12800xf32, #tpu.memory_space<vmem>> -> memref<12800xf32, #tpu.memory_space<vmem>>
    tpu.enqueue_dma source(%dma_start3A_268 : memref<12800xf32, #tpu.memory_space<vmem>>) target(%dma_start3A_265 : memref<12800xf32, #tpu.memory_space<hbm>>) target_semaphore(%dma_start3A_264 : memref<!tpu.dma_semaphore, #tpu.memory_space<semaphore_mem>>)
    %dma_wait3A_269 = arith.constant 1 : i32
    %dma_wait3A_270 = arith.constant 1 : i32
    %dma_wait3A_271 = arith.constant 0 : i32
    %dma_wait3A_272 = tpu.memref_slice %arg6[%dma_wait3A_269, %dma_wait3A_271] : memref<4x12800xi32, #tpu.memory_space<vmem>> -> memref<1x12800xi32, #tpu.memory_space<vmem>>
    %dma_wait3A_273 = tpu.memref_squeeze %dma_wait3A_272 : memref<1x12800xi32, #tpu.memory_space<vmem>> -> memref<12800xi32, #tpu.memory_space<vmem>>
    %dma_wait3A_274 = tpu.memref_slice %arg2[%add3A_129] : memref<3276800xi32, #tpu.memory_space<hbm>> -> memref<12800xi32, #tpu.memory_space<hbm>>
    %dma_wait3A_275 = tpu.memref_slice %arg8[%dma_wait3A_270] : memref<4x!tpu.dma_semaphore, #tpu.memory_space<semaphore_mem>> -> memref<1x!tpu.dma_semaphore, #tpu.memory_space<semaphore_mem>>
    %dma_wait3A_276 = tpu.memref_squeeze %dma_wait3A_275 : memref<1x!tpu.dma_semaphore, #tpu.memory_space<semaphore_mem>> -> memref<!tpu.dma_semaphore, #tpu.memory_space<semaphore_mem>>
    %dma_wait3A_277 = arith.constant 0 : i32
    %dma_wait3A_278 = tpu.memref_slice %arg6[%dma_wait3A_269, %dma_wait3A_277] : memref<4x12800xi32, #tpu.memory_space<vmem>> -> memref<1x12800xi32, #tpu.memory_space<vmem>>
    %dma_wait3A_279 = tpu.memref_squeeze %dma_wait3A_278 : memref<1x12800xi32, #tpu.memory_space<vmem>> -> memref<12800xi32, #tpu.memory_space<vmem>>
    %dma_wait3A_280 = tpu.memref_slice %arg2[%add3A_129] : memref<3276800xi32, #tpu.memory_space<hbm>> -> memref<12800xi32, #tpu.memory_space<hbm>>
    tpu.wait_dma2 semaphore(%dma_wait3A_276 : memref<!tpu.dma_semaphore, #tpu.memory_space<semaphore_mem>>) src(%dma_wait3A_280 : memref<12800xi32, #tpu.memory_space<hbm>>) dst(%dma_wait3A_279 : memref<12800xi32, #tpu.memory_space<vmem>>)
    %dma_wait3A_281 = arith.constant 1 : i32
    %dma_wait3A_282 = arith.constant 1 : i32
    %dma_wait3A_283 = arith.constant 0 : i32
    %dma_wait3A_284 = tpu.memref_slice %arg7[%dma_wait3A_281, %dma_wait3A_283] : memref<4x12800xf32, #tpu.memory_space<vmem>> -> memref<1x12800xf32, #tpu.memory_space<vmem>>
    %dma_wait3A_285 = tpu.memref_squeeze %dma_wait3A_284 : memref<1x12800xf32, #tpu.memory_space<vmem>> -> memref<12800xf32, #tpu.memory_space<vmem>>
    %dma_wait3A_286 = tpu.memref_slice %arg4[%add3A_115] : memref<3276800xf32, #tpu.memory_space<hbm>> -> memref<12800xf32, #tpu.memory_space<hbm>>
    %dma_wait3A_287 = tpu.memref_slice %arg9[%dma_wait3A_282] : memref<4x!tpu.dma_semaphore, #tpu.memory_space<semaphore_mem>> -> memref<1x!tpu.dma_semaphore, #tpu.memory_space<semaphore_mem>>
    %dma_wait3A_288 = tpu.memref_squeeze %dma_wait3A_287 : memref<1x!tpu.dma_semaphore, #tpu.memory_space<semaphore_mem>> -> memref<!tpu.dma_semaphore, #tpu.memory_space<semaphore_mem>>
    %dma_wait3A_289 = tpu.memref_slice %arg4[%add3A_115] : memref<3276800xf32, #tpu.memory_space<hbm>> -> memref<12800xf32, #tpu.memory_space<hbm>>
    %dma_wait3A_290 = arith.constant 0 : i32
    %dma_wait3A_291 = tpu.memref_slice %arg7[%dma_wait3A_281, %dma_wait3A_290] : memref<4x12800xf32, #tpu.memory_space<vmem>> -> memref<1x12800xf32, #tpu.memory_space<vmem>>
    %dma_wait3A_292 = tpu.memref_squeeze %dma_wait3A_291 : memref<1x12800xf32, #tpu.memory_space<vmem>> -> memref<12800xf32, #tpu.memory_space<vmem>>
    tpu.wait_dma2 semaphore(%dma_wait3A_288 : memref<!tpu.dma_semaphore, #tpu.memory_space<semaphore_mem>>) src(%dma_wait3A_292 : memref<12800xf32, #tpu.memory_space<vmem>>) dst(%dma_wait3A_289 : memref<12800xf32, #tpu.memory_space<hbm>>)
    %parallel_loop3A_293 = arith.constant 0 : i32
    %parallel_loop3A_294 = arith.constant 800 : i32
    %parallel_loop3A_295 = arith.constant 1 : i32
    scf.for %parallel_loop3A_440 = %parallel_loop3A_293 to %parallel_loop3A_294 step %parallel_loop3A_295  : i32 {
      %parallel_loop3A_441 = arith.constant 16 : i32
      %parallel_loop3A_442 = arith.muli %parallel_loop3A_440, %parallel_loop3A_441 : i32
      %parallel_loop3A_443 = arith.constant 1 : i32
      %parallel_loop3A_444 = arith.index_cast %parallel_loop3A_443 : i32 to index
      %parallel_loop3A_445 = arith.index_cast %parallel_loop3A_442 : i32 to index
      %parallel_loop3A_446 = tpu.vector_load %arg6[%parallel_loop3A_444, %parallel_loop3A_445] {strides = array<i32>} : memref<4x12800xi32, #tpu.memory_space<vmem>>, vector<16xi32>,
      %parallel_loop3A_447 = tpu.vector_load_idx %arg5[%parallel_loop3A_446] : memref<200xf32, #tpu.memory_space<vmem>>[vector<16xi32>], vector<16xf32>,
      %parallel_loop3A_448 = arith.constant 1 : i32
      %parallel_loop3A_449 = arith.index_cast %parallel_loop3A_448 : i32 to index
      %parallel_loop3A_450 = arith.index_cast %parallel_loop3A_442 : i32 to index
      %parallel_loop3A_451 = tpu.vector_load %arg7[%parallel_loop3A_449, %parallel_loop3A_450] {strides = array<i32>} : memref<4x12800xf32, #tpu.memory_space<vmem>>, vector<16xf32>,
      tpu.vector_store %arg7[%parallel_loop3A_449, %parallel_loop3A_450], %parallel_loop3A_447 {strides = array<i32>} : memref<4x12800xf32, #tpu.memory_space<vmem>>, vector<16xf32>,
    } {sc.loop_unroll_factor = 16 : i64, sc.parallel_access}
    %add3A_296 = arith.constant 64000 : i32
    %add3A_297 = arith.addi %mul3A_2, %add3A_296 : i32
    %dma_start3A_298 = arith.constant 1 : i32
    %dma_start3A_299 = arith.constant 1 : i32
    %dma_start3A_300 = arith.constant 0 : i32
    %dma_start3A_301 = tpu.memref_slice %arg7[%dma_start3A_298, %dma_start3A_300] : memref<4x12800xf32, #tpu.memory_space<vmem>> -> memref<1x12800xf32, #tpu.memory_space<vmem>>
    %dma_start3A_302 = tpu.memref_squeeze %dma_start3A_301 : memref<1x12800xf32, #tpu.memory_space<vmem>> -> memref<12800xf32, #tpu.memory_space<vmem>>
    %dma_start3A_303 = tpu.memref_slice %arg4[%add3A_297] : memref<3276800xf32, #tpu.memory_space<hbm>> -> memref<12800xf32, #tpu.memory_space<hbm>>
    %dma_start3A_304 = tpu.memref_slice %arg9[%dma_start3A_299] : memref<4x!tpu.dma_semaphore, #tpu.memory_space<semaphore_mem>> -> memref<1x!tpu.dma_semaphore, #tpu.memory_space<semaphore_mem>>
    %dma_start3A_305 = tpu.memref_squeeze %dma_start3A_304 : memref<1x!tpu.dma_semaphore, #tpu.memory_space<semaphore_mem>> -> memref<!tpu.dma_semaphore, #tpu.memory_space<semaphore_mem>>
    %dma_start3A_306 = tpu.memref_slice %arg4[%add3A_297] : memref<3276800xf32, #tpu.memory_space<hbm>> -> memref<12800xf32, #tpu.memory_space<hbm>>
    %dma_start3A_307 = arith.constant 0 : i32
    %dma_start3A_308 = tpu.memref_slice %arg7[%dma_start3A_298, %dma_start3A_307] : memref<4x12800xf32, #tpu.memory_space<vmem>> -> memref<1x12800xf32, #tpu.memory_space<vmem>>
    %dma_start3A_309 = tpu.memref_squeeze %dma_start3A_308 : memref<1x12800xf32, #tpu.memory_space<vmem>> -> memref<12800xf32, #tpu.memory_space<vmem>>
    tpu.enqueue_dma source(%dma_start3A_309 : memref<12800xf32, #tpu.memory_space<vmem>>) target(%dma_start3A_306 : memref<12800xf32, #tpu.memory_space<hbm>>) target_semaphore(%dma_start3A_305 : memref<!tpu.dma_semaphore, #tpu.memory_space<semaphore_mem>>)
    %dma_wait3A_310 = arith.constant 2 : i32
    %dma_wait3A_311 = arith.constant 2 : i32
    %dma_wait3A_312 = arith.constant 0 : i32
    %dma_wait3A_313 = tpu.memref_slice %arg6[%dma_wait3A_310, %dma_wait3A_312] : memref<4x12800xi32, #tpu.memory_space<vmem>> -> memref<1x12800xi32, #tpu.memory_space<vmem>>
    %dma_wait3A_314 = tpu.memref_squeeze %dma_wait3A_313 : memref<1x12800xi32, #tpu.memory_space<vmem>> -> memref<12800xi32, #tpu.memory_space<vmem>>
    %dma_wait3A_315 = tpu.memref_slice %arg2[%add3A_172] : memref<3276800xi32, #tpu.memory_space<hbm>> -> memref<12800xi32, #tpu.memory_space<hbm>>
    %dma_wait3A_316 = tpu.memref_slice %arg8[%dma_wait3A_311] : memref<4x!tpu.dma_semaphore, #tpu.memory_space<semaphore_mem>> -> memref<1x!tpu.dma_semaphore, #tpu.memory_space<semaphore_mem>>
    %dma_wait3A_317 = tpu.memref_squeeze %dma_wait3A_316 : memref<1x!tpu.dma_semaphore, #tpu.memory_space<semaphore_mem>> -> memref<!tpu.dma_semaphore, #tpu.memory_space<semaphore_mem>>
    %dma_wait3A_318 = arith.constant 0 : i32
    %dma_wait3A_319 = tpu.memref_slice %arg6[%dma_wait3A_310, %dma_wait3A_318] : memref<4x12800xi32, #tpu.memory_space<vmem>> -> memref<1x12800xi32, #tpu.memory_space<vmem>>
    %dma_wait3A_320 = tpu.memref_squeeze %dma_wait3A_319 : memref<1x12800xi32, #tpu.memory_space<vmem>> -> memref<12800xi32, #tpu.memory_space<vmem>>
    %dma_wait3A_321 = tpu.memref_slice %arg2[%add3A_172] : memref<3276800xi32, #tpu.memory_space<hbm>> -> memref<12800xi32, #tpu.memory_space<hbm>>
    tpu.wait_dma2 semaphore(%dma_wait3A_317 : memref<!tpu.dma_semaphore, #tpu.memory_space<semaphore_mem>>) src(%dma_wait3A_321 : memref<12800xi32, #tpu.memory_space<hbm>>) dst(%dma_wait3A_320 : memref<12800xi32, #tpu.memory_space<vmem>>)
    %dma_wait3A_322 = arith.constant 2 : i32
    %dma_wait3A_323 = arith.constant 2 : i32
    %dma_wait3A_324 = arith.constant 0 : i32
    %dma_wait3A_325 = tpu.memref_slice %arg7[%dma_wait3A_322, %dma_wait3A_324] : memref<4x12800xf32, #tpu.memory_space<vmem>> -> memref<1x12800xf32, #tpu.memory_space<vmem>>
    %dma_wait3A_326 = tpu.memref_squeeze %dma_wait3A_325 : memref<1x12800xf32, #tpu.memory_space<vmem>> -> memref<12800xf32, #tpu.memory_space<vmem>>
    %dma_wait3A_327 = tpu.memref_slice %arg4[%add3A_158] : memref<3276800xf32, #tpu.memory_space<hbm>> -> memref<12800xf32, #tpu.memory_space<hbm>>
    %dma_wait3A_328 = tpu.memref_slice %arg9[%dma_wait3A_323] : memref<4x!tpu.dma_semaphore, #tpu.memory_space<semaphore_mem>> -> memref<1x!tpu.dma_semaphore, #tpu.memory_space<semaphore_mem>>
    %dma_wait3A_329 = tpu.memref_squeeze %dma_wait3A_328 : memref<1x!tpu.dma_semaphore, #tpu.memory_space<semaphore_mem>> -> memref<!tpu.dma_semaphore, #tpu.memory_space<semaphore_mem>>
    %dma_wait3A_330 = tpu.memref_slice %arg4[%add3A_158] : memref<3276800xf32, #tpu.memory_space<hbm>> -> memref<12800xf32, #tpu.memory_space<hbm>>
    %dma_wait3A_331 = arith.constant 0 : i32
    %dma_wait3A_332 = tpu.memref_slice %arg7[%dma_wait3A_322, %dma_wait3A_331] : memref<4x12800xf32, #tpu.memory_space<vmem>> -> memref<1x12800xf32, #tpu.memory_space<vmem>>
    %dma_wait3A_333 = tpu.memref_squeeze %dma_wait3A_332 : memref<1x12800xf32, #tpu.memory_space<vmem>> -> memref<12800xf32, #tpu.memory_space<vmem>>
    tpu.wait_dma2 semaphore(%dma_wait3A_329 : memref<!tpu.dma_semaphore, #tpu.memory_space<semaphore_mem>>) src(%dma_wait3A_333 : memref<12800xf32, #tpu.memory_space<vmem>>) dst(%dma_wait3A_330 : memref<12800xf32, #tpu.memory_space<hbm>>)
    %parallel_loop3A_334 = arith.constant 0 : i32
    %parallel_loop3A_335 = arith.constant 800 : i32
    %parallel_loop3A_336 = arith.constant 1 : i32
    scf.for %parallel_loop3A_440 = %parallel_loop3A_334 to %parallel_loop3A_335 step %parallel_loop3A_336  : i32 {
      %parallel_loop3A_441 = arith.constant 16 : i32
      %parallel_loop3A_442 = arith.muli %parallel_loop3A_440, %parallel_loop3A_441 : i32
      %parallel_loop3A_443 = arith.constant 2 : i32
      %parallel_loop3A_444 = arith.index_cast %parallel_loop3A_443 : i32 to index
      %parallel_loop3A_445 = arith.index_cast %parallel_loop3A_442 : i32 to index
      %parallel_loop3A_446 = tpu.vector_load %arg6[%parallel_loop3A_444, %parallel_loop3A_445] {strides = array<i32>} : memref<4x12800xi32, #tpu.memory_space<vmem>>, vector<16xi32>,
      %parallel_loop3A_447 = tpu.vector_load_idx %arg5[%parallel_loop3A_446] : memref<200xf32, #tpu.memory_space<vmem>>[vector<16xi32>], vector<16xf32>,
      %parallel_loop3A_448 = arith.constant 2 : i32
      %parallel_loop3A_449 = arith.index_cast %parallel_loop3A_448 : i32 to index
      %parallel_loop3A_450 = arith.index_cast %parallel_loop3A_442 : i32 to index
      %parallel_loop3A_451 = tpu.vector_load %arg7[%parallel_loop3A_449, %parallel_loop3A_450] {strides = array<i32>} : memref<4x12800xf32, #tpu.memory_space<vmem>>, vector<16xf32>,
      tpu.vector_store %arg7[%parallel_loop3A_449, %parallel_loop3A_450], %parallel_loop3A_447 {strides = array<i32>} : memref<4x12800xf32, #tpu.memory_space<vmem>>, vector<16xf32>,
    } {sc.loop_unroll_factor = 16 : i64, sc.parallel_access}
    %add3A_337 = arith.constant 76800 : i32
    %add3A_338 = arith.addi %mul3A_2, %add3A_337 : i32
    %dma_start3A_339 = arith.constant 2 : i32
    %dma_start3A_340 = arith.constant 2 : i32
    %dma_start3A_341 = arith.constant 0 : i32
    %dma_start3A_342 = tpu.memref_slice %arg7[%dma_start3A_339, %dma_start3A_341] : memref<4x12800xf32, #tpu.memory_space<vmem>> -> memref<1x12800xf32, #tpu.memory_space<vmem>>
    %dma_start3A_343 = tpu.memref_squeeze %dma_start3A_342 : memref<1x12800xf32, #tpu.memory_space<vmem>> -> memref<12800xf32, #tpu.memory_space<vmem>>
    %dma_start3A_344 = tpu.memref_slice %arg4[%add3A_338] : memref<3276800xf32, #tpu.memory_space<hbm>> -> memref<12800xf32, #tpu.memory_space<hbm>>
    %dma_start3A_345 = tpu.memref_slice %arg9[%dma_start3A_340] : memref<4x!tpu.dma_semaphore, #tpu.memory_space<semaphore_mem>> -> memref<1x!tpu.dma_semaphore, #tpu.memory_space<semaphore_mem>>
    %dma_start3A_346 = tpu.memref_squeeze %dma_start3A_345 : memref<1x!tpu.dma_semaphore, #tpu.memory_space<semaphore_mem>> -> memref<!tpu.dma_semaphore, #tpu.memory_space<semaphore_mem>>
    %dma_start3A_347 = tpu.memref_slice %arg4[%add3A_338] : memref<3276800xf32, #tpu.memory_space<hbm>> -> memref<12800xf32, #tpu.memory_space<hbm>>
    %dma_start3A_348 = arith.constant 0 : i32
    %dma_start3A_349 = tpu.memref_slice %arg7[%dma_start3A_339, %dma_start3A_348] : memref<4x12800xf32, #tpu.memory_space<vmem>> -> memref<1x12800xf32, #tpu.memory_space<vmem>>
    %dma_start3A_350 = tpu.memref_squeeze %dma_start3A_349 : memref<1x12800xf32, #tpu.memory_space<vmem>> -> memref<12800xf32, #tpu.memory_space<vmem>>
    tpu.enqueue_dma source(%dma_start3A_350 : memref<12800xf32, #tpu.memory_space<vmem>>) target(%dma_start3A_347 : memref<12800xf32, #tpu.memory_space<hbm>>) target_semaphore(%dma_start3A_346 : memref<!tpu.dma_semaphore, #tpu.memory_space<semaphore_mem>>)
    %dma_wait3A_351 = arith.constant 3 : i32
    %dma_wait3A_352 = arith.constant 3 : i32
    %dma_wait3A_353 = arith.constant 0 : i32
    %dma_wait3A_354 = tpu.memref_slice %arg6[%dma_wait3A_351, %dma_wait3A_353] : memref<4x12800xi32, #tpu.memory_space<vmem>> -> memref<1x12800xi32, #tpu.memory_space<vmem>>
    %dma_wait3A_355 = tpu.memref_squeeze %dma_wait3A_354 : memref<1x12800xi32, #tpu.memory_space<vmem>> -> memref<12800xi32, #tpu.memory_space<vmem>>
    %dma_wait3A_356 = tpu.memref_slice %arg2[%add3A_215] : memref<3276800xi32, #tpu.memory_space<hbm>> -> memref<12800xi32, #tpu.memory_space<hbm>>
    %dma_wait3A_357 = tpu.memref_slice %arg8[%dma_wait3A_352] : memref<4x!tpu.dma_semaphore, #tpu.memory_space<semaphore_mem>> -> memref<1x!tpu.dma_semaphore, #tpu.memory_space<semaphore_mem>>
    %dma_wait3A_358 = tpu.memref_squeeze %dma_wait3A_357 : memref<1x!tpu.dma_semaphore, #tpu.memory_space<semaphore_mem>> -> memref<!tpu.dma_semaphore, #tpu.memory_space<semaphore_mem>>
    %dma_wait3A_359 = arith.constant 0 : i32
    %dma_wait3A_360 = tpu.memref_slice %arg6[%dma_wait3A_351, %dma_wait3A_359] : memref<4x12800xi32, #tpu.memory_space<vmem>> -> memref<1x12800xi32, #tpu.memory_space<vmem>>
    %dma_wait3A_361 = tpu.memref_squeeze %dma_wait3A_360 : memref<1x12800xi32, #tpu.memory_space<vmem>> -> memref<12800xi32, #tpu.memory_space<vmem>>
    %dma_wait3A_362 = tpu.memref_slice %arg2[%add3A_215] : memref<3276800xi32, #tpu.memory_space<hbm>> -> memref<12800xi32, #tpu.memory_space<hbm>>
    tpu.wait_dma2 semaphore(%dma_wait3A_358 : memref<!tpu.dma_semaphore, #tpu.memory_space<semaphore_mem>>) src(%dma_wait3A_362 : memref<12800xi32, #tpu.memory_space<hbm>>) dst(%dma_wait3A_361 : memref<12800xi32, #tpu.memory_space<vmem>>)
    %dma_wait3A_363 = arith.constant 3 : i32
    %dma_wait3A_364 = arith.constant 3 : i32
    %dma_wait3A_365 = arith.constant 0 : i32
    %dma_wait3A_366 = tpu.memref_slice %arg7[%dma_wait3A_363, %dma_wait3A_365] : memref<4x12800xf32, #tpu.memory_space<vmem>> -> memref<1x12800xf32, #tpu.memory_space<vmem>>
    %dma_wait3A_367 = tpu.memref_squeeze %dma_wait3A_366 : memref<1x12800xf32, #tpu.memory_space<vmem>> -> memref<12800xf32, #tpu.memory_space<vmem>>
    %dma_wait3A_368 = tpu.memref_slice %arg4[%add3A_201] : memref<3276800xf32, #tpu.memory_space<hbm>> -> memref<12800xf32, #tpu.memory_space<hbm>>
    %dma_wait3A_369 = tpu.memref_slice %arg9[%dma_wait3A_364] : memref<4x!tpu.dma_semaphore, #tpu.memory_space<semaphore_mem>> -> memref<1x!tpu.dma_semaphore, #tpu.memory_space<semaphore_mem>>
    %dma_wait3A_370 = tpu.memref_squeeze %dma_wait3A_369 : memref<1x!tpu.dma_semaphore, #tpu.memory_space<semaphore_mem>> -> memref<!tpu.dma_semaphore, #tpu.memory_space<semaphore_mem>>
    %dma_wait3A_371 = tpu.memref_slice %arg4[%add3A_201] : memref<3276800xf32, #tpu.memory_space<hbm>> -> memref<12800xf32, #tpu.memory_space<hbm>>
    %dma_wait3A_372 = arith.constant 0 : i32
    %dma_wait3A_373 = tpu.memref_slice %arg7[%dma_wait3A_363, %dma_wait3A_372] : memref<4x12800xf32, #tpu.memory_space<vmem>> -> memref<1x12800xf32, #tpu.memory_space<vmem>>
    %dma_wait3A_374 = tpu.memref_squeeze %dma_wait3A_373 : memref<1x12800xf32, #tpu.memory_space<vmem>> -> memref<12800xf32, #tpu.memory_space<vmem>>
    tpu.wait_dma2 semaphore(%dma_wait3A_370 : memref<!tpu.dma_semaphore, #tpu.memory_space<semaphore_mem>>) src(%dma_wait3A_374 : memref<12800xf32, #tpu.memory_space<vmem>>) dst(%dma_wait3A_371 : memref<12800xf32, #tpu.memory_space<hbm>>)
    %parallel_loop3A_375 = arith.constant 0 : i32
    %parallel_loop3A_376 = arith.constant 800 : i32
    %parallel_loop3A_377 = arith.constant 1 : i32
    scf.for %parallel_loop3A_440 = %parallel_loop3A_375 to %parallel_loop3A_376 step %parallel_loop3A_377  : i32 {
      %parallel_loop3A_441 = arith.constant 16 : i32
      %parallel_loop3A_442 = arith.muli %parallel_loop3A_440, %parallel_loop3A_441 : i32
      %parallel_loop3A_443 = arith.constant 3 : i32
      %parallel_loop3A_444 = arith.index_cast %parallel_loop3A_443 : i32 to index
      %parallel_loop3A_445 = arith.index_cast %parallel_loop3A_442 : i32 to index
      %parallel_loop3A_446 = tpu.vector_load %arg6[%parallel_loop3A_444, %parallel_loop3A_445] {strides = array<i32>} : memref<4x12800xi32, #tpu.memory_space<vmem>>, vector<16xi32>,
      %parallel_loop3A_447 = tpu.vector_load_idx %arg5[%parallel_loop3A_446] : memref<200xf32, #tpu.memory_space<vmem>>[vector<16xi32>], vector<16xf32>,
      %parallel_loop3A_448 = arith.constant 3 : i32
      %parallel_loop3A_449 = arith.index_cast %parallel_loop3A_448 : i32 to index
      %parallel_loop3A_450 = arith.index_cast %parallel_loop3A_442 : i32 to index
      %parallel_loop3A_451 = tpu.vector_load %arg7[%parallel_loop3A_449, %parallel_loop3A_450] {strides = array<i32>} : memref<4x12800xf32, #tpu.memory_space<vmem>>, vector<16xf32>,
      tpu.vector_store %arg7[%parallel_loop3A_449, %parallel_loop3A_450], %parallel_loop3A_447 {strides = array<i32>} : memref<4x12800xf32, #tpu.memory_space<vmem>>, vector<16xf32>,
    } {sc.loop_unroll_factor = 16 : i64, sc.parallel_access}
    %add3A_378 = arith.constant 89600 : i32
    %add3A_379 = arith.addi %mul3A_2, %add3A_378 : i32
    %dma_start3A_380 = arith.constant 3 : i32
    %dma_start3A_381 = arith.constant 3 : i32
    %dma_start3A_382 = arith.constant 0 : i32
    %dma_start3A_383 = tpu.memref_slice %arg7[%dma_start3A_380, %dma_start3A_382] : memref<4x12800xf32, #tpu.memory_space<vmem>> -> memref<1x12800xf32, #tpu.memory_space<vmem>>
    %dma_start3A_384 = tpu.memref_squeeze %dma_start3A_383 : memref<1x12800xf32, #tpu.memory_space<vmem>> -> memref<12800xf32, #tpu.memory_space<vmem>>
    %dma_start3A_385 = tpu.memref_slice %arg4[%add3A_379] : memref<3276800xf32, #tpu.memory_space<hbm>> -> memref<12800xf32, #tpu.memory_space<hbm>>
    %dma_start3A_386 = tpu.memref_slice %arg9[%dma_start3A_381] : memref<4x!tpu.dma_semaphore, #tpu.memory_space<semaphore_mem>> -> memref<1x!tpu.dma_semaphore, #tpu.memory_space<semaphore_mem>>
    %dma_start3A_387 = tpu.memref_squeeze %dma_start3A_386 : memref<1x!tpu.dma_semaphore, #tpu.memory_space<semaphore_mem>> -> memref<!tpu.dma_semaphore, #tpu.memory_space<semaphore_mem>>
    %dma_start3A_388 = tpu.memref_slice %arg4[%add3A_379] : memref<3276800xf32, #tpu.memory_space<hbm>> -> memref<12800xf32, #tpu.memory_space<hbm>>
    %dma_start3A_389 = arith.constant 0 : i32
    %dma_start3A_390 = tpu.memref_slice %arg7[%dma_start3A_380, %dma_start3A_389] : memref<4x12800xf32, #tpu.memory_space<vmem>> -> memref<1x12800xf32, #tpu.memory_space<vmem>>
    %dma_start3A_391 = tpu.memref_squeeze %dma_start3A_390 : memref<1x12800xf32, #tpu.memory_space<vmem>> -> memref<12800xf32, #tpu.memory_space<vmem>>
    tpu.enqueue_dma source(%dma_start3A_391 : memref<12800xf32, #tpu.memory_space<vmem>>) target(%dma_start3A_388 : memref<12800xf32, #tpu.memory_space<hbm>>) target_semaphore(%dma_start3A_387 : memref<!tpu.dma_semaphore, #tpu.memory_space<semaphore_mem>>)
    %dma_wait3A_392 = arith.constant 0 : i32
    %dma_wait3A_393 = arith.constant 0 : i32
    %dma_wait3A_394 = arith.constant 0 : i32
    %dma_wait3A_395 = tpu.memref_slice %arg7[%dma_wait3A_392, %dma_wait3A_394] : memref<4x12800xf32, #tpu.memory_space<vmem>> -> memref<1x12800xf32, #tpu.memory_space<vmem>>
    %dma_wait3A_396 = tpu.memref_squeeze %dma_wait3A_395 : memref<1x12800xf32, #tpu.memory_space<vmem>> -> memref<12800xf32, #tpu.memory_space<vmem>>
    %dma_wait3A_397 = tpu.memref_slice %arg4[%add3A_256] : memref<3276800xf32, #tpu.memory_space<hbm>> -> memref<12800xf32, #tpu.memory_space<hbm>>
    %dma_wait3A_398 = tpu.memref_slice %arg9[%dma_wait3A_393] : memref<4x!tpu.dma_semaphore, #tpu.memory_space<semaphore_mem>> -> memref<1x!tpu.dma_semaphore, #tpu.memory_space<semaphore_mem>>
    %dma_wait3A_399 = tpu.memref_squeeze %dma_wait3A_398 : memref<1x!tpu.dma_semaphore, #tpu.memory_space<semaphore_mem>> -> memref<!tpu.dma_semaphore, #tpu.memory_space<semaphore_mem>>
    %dma_wait3A_400 = tpu.memref_slice %arg4[%add3A_256] : memref<3276800xf32, #tpu.memory_space<hbm>> -> memref<12800xf32, #tpu.memory_space<hbm>>
    %dma_wait3A_401 = arith.constant 0 : i32
    %dma_wait3A_402 = tpu.memref_slice %arg7[%dma_wait3A_392, %dma_wait3A_401] : memref<4x12800xf32, #tpu.memory_space<vmem>> -> memref<1x12800xf32, #tpu.memory_space<vmem>>
    %dma_wait3A_403 = tpu.memref_squeeze %dma_wait3A_402 : memref<1x12800xf32, #tpu.memory_space<vmem>> -> memref<12800xf32, #tpu.memory_space<vmem>>
    tpu.wait_dma2 semaphore(%dma_wait3A_399 : memref<!tpu.dma_semaphore, #tpu.memory_space<semaphore_mem>>) src(%dma_wait3A_403 : memref<12800xf32, #tpu.memory_space<vmem>>) dst(%dma_wait3A_400 : memref<12800xf32, #tpu.memory_space<hbm>>)
    %dma_wait3A_404 = arith.constant 1 : i32
    %dma_wait3A_405 = arith.constant 1 : i32
    %dma_wait3A_406 = arith.constant 0 : i32
    %dma_wait3A_407 = tpu.memref_slice %arg7[%dma_wait3A_404, %dma_wait3A_406] : memref<4x12800xf32, #tpu.memory_space<vmem>> -> memref<1x12800xf32, #tpu.memory_space<vmem>>
    %dma_wait3A_408 = tpu.memref_squeeze %dma_wait3A_407 : memref<1x12800xf32, #tpu.memory_space<vmem>> -> memref<12800xf32, #tpu.memory_space<vmem>>
    %dma_wait3A_409 = tpu.memref_slice %arg4[%add3A_297] : memref<3276800xf32, #tpu.memory_space<hbm>> -> memref<12800xf32, #tpu.memory_space<hbm>>
    %dma_wait3A_410 = tpu.memref_slice %arg9[%dma_wait3A_405] : memref<4x!tpu.dma_semaphore, #tpu.memory_space<semaphore_mem>> -> memref<1x!tpu.dma_semaphore, #tpu.memory_space<semaphore_mem>>
    %dma_wait3A_411 = tpu.memref_squeeze %dma_wait3A_410 : memref<1x!tpu.dma_semaphore, #tpu.memory_space<semaphore_mem>> -> memref<!tpu.dma_semaphore, #tpu.memory_space<semaphore_mem>>
    %dma_wait3A_412 = tpu.memref_slice %arg4[%add3A_297] : memref<3276800xf32, #tpu.memory_space<hbm>> -> memref<12800xf32, #tpu.memory_space<hbm>>
    %dma_wait3A_413 = arith.constant 0 : i32
    %dma_wait3A_414 = tpu.memref_slice %arg7[%dma_wait3A_404, %dma_wait3A_413] : memref<4x12800xf32, #tpu.memory_space<vmem>> -> memref<1x12800xf32, #tpu.memory_space<vmem>>
    %dma_wait3A_415 = tpu.memref_squeeze %dma_wait3A_414 : memref<1x12800xf32, #tpu.memory_space<vmem>> -> memref<12800xf32, #tpu.memory_space<vmem>>
    tpu.wait_dma2 semaphore(%dma_wait3A_411 : memref<!tpu.dma_semaphore, #tpu.memory_space<semaphore_mem>>) src(%dma_wait3A_415 : memref<12800xf32, #tpu.memory_space<vmem>>) dst(%dma_wait3A_412 : memref<12800xf32, #tpu.memory_space<hbm>>)
    %dma_wait3A_416 = arith.constant 2 : i32
    %dma_wait3A_417 = arith.constant 2 : i32
    %dma_wait3A_418 = arith.constant 0 : i32
    %dma_wait3A_419 = tpu.memref_slice %arg7[%dma_wait3A_416, %dma_wait3A_418] : memref<4x12800xf32, #tpu.memory_space<vmem>> -> memref<1x12800xf32, #tpu.memory_space<vmem>>
    %dma_wait3A_420 = tpu.memref_squeeze %dma_wait3A_419 : memref<1x12800xf32, #tpu.memory_space<vmem>> -> memref<12800xf32, #tpu.memory_space<vmem>>
    %dma_wait3A_421 = tpu.memref_slice %arg4[%add3A_338] : memref<3276800xf32, #tpu.memory_space<hbm>> -> memref<12800xf32, #tpu.memory_space<hbm>>
    %dma_wait3A_422 = tpu.memref_slice %arg9[%dma_wait3A_417] : memref<4x!tpu.dma_semaphore, #tpu.memory_space<semaphore_mem>> -> memref<1x!tpu.dma_semaphore, #tpu.memory_space<semaphore_mem>>
    %dma_wait3A_423 = tpu.memref_squeeze %dma_wait3A_422 : memref<1x!tpu.dma_semaphore, #tpu.memory_space<semaphore_mem>> -> memref<!tpu.dma_semaphore, #tpu.memory_space<semaphore_mem>>
    %dma_wait3A_424 = tpu.memref_slice %arg4[%add3A_338] : memref<3276800xf32, #tpu.memory_space<hbm>> -> memref<12800xf32, #tpu.memory_space<hbm>>
    %dma_wait3A_425 = arith.constant 0 : i32
    %dma_wait3A_426 = tpu.memref_slice %arg7[%dma_wait3A_416, %dma_wait3A_425] : memref<4x12800xf32, #tpu.memory_space<vmem>> -> memref<1x12800xf32, #tpu.memory_space<vmem>>
    %dma_wait3A_427 = tpu.memref_squeeze %dma_wait3A_426 : memref<1x12800xf32, #tpu.memory_space<vmem>> -> memref<12800xf32, #tpu.memory_space<vmem>>
    tpu.wait_dma2 semaphore(%dma_wait3A_423 : memref<!tpu.dma_semaphore, #tpu.memory_space<semaphore_mem>>) src(%dma_wait3A_427 : memref<12800xf32, #tpu.memory_space<vmem>>) dst(%dma_wait3A_424 : memref<12800xf32, #tpu.memory_space<hbm>>)
    %dma_wait3A_428 = arith.constant 3 : i32
    %dma_wait3A_429 = arith.constant 3 : i32
    %dma_wait3A_430 = arith.constant 0 : i32
    %dma_wait3A_431 = tpu.memref_slice %arg7[%dma_wait3A_428, %dma_wait3A_430] : memref<4x12800xf32, #tpu.memory_space<vmem>> -> memref<1x12800xf32, #tpu.memory_space<vmem>>
    %dma_wait3A_432 = tpu.memref_squeeze %dma_wait3A_431 : memref<1x12800xf32, #tpu.memory_space<vmem>> -> memref<12800xf32, #tpu.memory_space<vmem>>
    %dma_wait3A_433 = tpu.memref_slice %arg4[%add3A_379] : memref<3276800xf32, #tpu.memory_space<hbm>> -> memref<12800xf32, #tpu.memory_space<hbm>>
    %dma_wait3A_434 = tpu.memref_slice %arg9[%dma_wait3A_429] : memref<4x!tpu.dma_semaphore, #tpu.memory_space<semaphore_mem>> -> memref<1x!tpu.dma_semaphore, #tpu.memory_space<semaphore_mem>>
    %dma_wait3A_435 = tpu.memref_squeeze %dma_wait3A_434 : memref<1x!tpu.dma_semaphore, #tpu.memory_space<semaphore_mem>> -> memref<!tpu.dma_semaphore, #tpu.memory_space<semaphore_mem>>
    %dma_wait3A_436 = tpu.memref_slice %arg4[%add3A_379] : memref<3276800xf32, #tpu.memory_space<hbm>> -> memref<12800xf32, #tpu.memory_space<hbm>>
    %dma_wait3A_437 = arith.constant 0 : i32
    %dma_wait3A_438 = tpu.memref_slice %arg7[%dma_wait3A_428, %dma_wait3A_437] : memref<4x12800xf32, #tpu.memory_space<vmem>> -> memref<1x12800xf32, #tpu.memory_space<vmem>>
    %dma_wait3A_439 = tpu.memref_squeeze %dma_wait3A_438 : memref<1x12800xf32, #tpu.memory_space<vmem>> -> memref<12800xf32, #tpu.memory_space<vmem>>
    tpu.wait_dma2 semaphore(%dma_wait3A_435 : memref<!tpu.dma_semaphore, #tpu.memory_space<semaphore_mem>>) src(%dma_wait3A_439 : memref<12800xf32, #tpu.memory_space<vmem>>) dst(%dma_wait3A_436 : memref<12800xf32, #tpu.memory_space<hbm>>)
    return
  }
}

</mosaic_0001>

<sc_bundles>
// kernel: kernel.3.cloned.1.call-start
scs
__scs_entry_jumppad:
0x0: {  	(pc) =	sbr.rel $0x88, $3  }
0x1: {  	(tag) =	ssettag $0x0;
	lr =	simm.s32 $0x1  }
0x2: {  	[smem:$0x3F9F] =	sst lr;
	_ =	strace $0xD0000000  }
0x3: {  	_ = 	snop  }
0x4: {  	_ = 	snop  }
0x5: {  	_ = 	snop  }
0x6: {  	_ = 	snop  }
0x7: {  	_ = 	snop  }
__scs_overlays_trampoline_lowered:
0x8: {  	[smem:$0x3FAE] =	sst s0  }
0x9: {  	[smem:$0x3FAF] =	sst s1  }
0xa: {  	[smem:$0x3FB0] =	sst s2  }
0xb: {  	[smem:$0x3FB1] =	sst s3  }
0xc: {  	[smem:$0x3FB2] =	sst s4  }
0xd: {  	[smem:$0x3FB3] =	sst s5  }
0xe: {  	[smem:$0x3FB4] =	sst s6  }
0xf: {  	[smem:$0x3FB5] =	sst s7  }
0x10: {  	[smem:$0x3FB6] =	sst s8  }
0x11: {  	[smem:$0x3FB7] =	sst s9;
	s0 =	simm.s32 @!p0 $0x0  }
0x12: {  	s1 =	sld [smem:$0x3F9D];
	s0 =	simm.s32 @p0 $0x1  }
0x13: {  	[smem:$0x3FB8] =	sst s0;
	s0 =	simm.s32 @!p1 $0x0  }
0x14: {  	s2 =	sld [smem:$0x3F9C];
	s0 =	simm.s32 @p1 $0x1  }
0x15: {  	[smem:$0x3FB9] =	sst s0;
	s0 =	simm.s32 @!p2 $0x0  }
0x16: {  	s3 =	sld [smem:$0x3FDB];
	s0 =	simm.s32 @p2 $0x1  }
0x17: {  	s4 =	simm.s32 $0x1BF5;
	[smem:$0x3FBB] =	sst s0  }
0x18: {  	s0 =	sld [smem:$0x3F9E];
	_ =	swait.ge [sflag:s4], $0x0  }
0x19: {  	s7 =	sld [smem:$0x3F9F]  }
0x1a: {  	s8 =	sadd.s32 $0xFFFFE003, lr  }
0x1b: {  	s9 =	sadd.s32 $0xFFFFFEF7, lr;
	s5 =	simm.s32 $0xFFFFFFFF;
	p2 =	slt.u32 s8, $0xFFFFF086  }
0x1c: {  	p1 =	slt.u32 s9, $0xF7A;
	s5 =	simm.s32 @!p2 $0x0  }
0x1d: {  	s5 =	simm.s32 @p1 $0x1;
	p0 =	seq.s32 s7, s2  }
0x1e: {  	s7 =	smul.u32 @!p0 $0xF7A, s2;
	p2 =	seq.s32 @!p0 s5, $0x0  }
0x1f: {  	s9 =	smul.u32 $0xF7A, s1;
	s8 =	simm.s32 @!p0 $0x1BF5;
	p2 =	por !p2, p0  }
0x20: {  	[sflag:s8] =	ssyncset.s32 @!p0 $0xFFFFF086;
	s6 =	sadd.s32 @!p0 s3, s7;
	s7 =	simm.s32 @!p0 $0x108  }
0x21: {  	s3 =	sadd.s32 s3, s9;
	s6 =	sadd.s32 @!p0 $0x88, s6;
	s7 =	simm.s32 @p2 $0x1082  }
0x22: {  	[simem:s7], [sflag:s8] =	dma.local @!p0 [hbm:s6], $0xF7A  }
0x23: {  	s9 =	sor.u32 $0xD0000000, s2;
	s6 =	simm.s32 $0x108;
	_ =	swait.ge @!p0 [sflag:s8], $0x0  }
0x24: {  	s3 =	sadd.s32 $0x88, s3;
	s6 =	simm.s32 @!p1 $0x1082;
	[sflag:s4] =	ssyncset.s32 $0xFFFFF086  }
0x25: {  	[simem:s6], [sflag:s4] =	dma.local [hbm:s3], $0xF7A  }
0x26: {  	[smem:$0x3F9F] =	sst s1;
	(tag) =	ssettag s2;
	_ =	strace s9  }
0x27: {  	s1 =	sld [smem:$0x3FAF]  }
0x28: {  	s2 =	sld [smem:$0x3FB0]  }
0x29: {  	s4 =	sld [smem:$0x3FB2]  }
0x2a: {  	p0 =	seq.s32 s5, $0x0;
	s5 =	sld [smem:$0x3FB3]  }
0x2b: {  	s6 =	sld [smem:$0x3FB4]  }
0x2c: {  	s7 =	sld [smem:$0x3FB5]  }
0x2d: {  	s3 =	simm.s32 $0x108;
	s8 =	sld [smem:$0x3FB6]  }
0x2e: {  	s3 =	simm.s32 @!p0 $0x1082;
	s9 =	sld [smem:$0x3FB7]  }
0x2f: {  	lr =	sadd.s32 s0, s3;
	s0 =	sld [smem:$0x3FAE]  }
0x30: {  	s3 =	sld [smem:$0x3FB1]  }
0x31: {  	[smem:$0x3FBA] =	sst s10  }
0x32: {  	s10 =	sld [smem:$0x3FB8];
	_ =	sdelay $0x3  }
0x33: {  	p0 =	seq.s32 s10, $0x1;
	s10 =	sld [smem:$0x3FBA];
	_ =	sdelay $0x3  }
0x34: {  	[smem:$0x3FBA] =	sst s10  }
0x35: {  	s10 =	sld [smem:$0x3FB9];
	_ =	sdelay $0x3  }
0x36: {  	p1 =	seq.s32 s10, $0x1;
	s10 =	sld [smem:$0x3FBA];
	_ =	sdelay $0x3  }
0x37: {  	[smem:$0x3FBA] =	sst s10  }
0x38: {  	s10 =	sld [smem:$0x3FBB]  }
0x39: {  	_ = 	snop;
	(pc) =	sbr.ind lr, $3  }
0x3a: {  	_ = 	snop  }
0x3b: {  	_ = 	snop  }
0x3c: {  	p2 =	seq.s32 s10, $0x1;
	s10 =	sld [smem:$0x3FBA]  }
0x3d: {  	_ =	shalt  }
0x3e: {  	_ =	shalt  }
0x3f: {  	_ =	shalt  }
0x40: {  	_ =	shalt  }
0x41: {  	_ =	shalt  }
0x42: {  	_ =	shalt  }
0x43: {  	_ =	shalt  }
0x44: {  	_ =	shalt  }
0x45: {  	_ =	shalt  }
0x46: {  	_ =	shalt  }
0x47: {  	_ =	shalt  }
0x48: {  	_ =	shalt  }
0x49: {  	_ =	shalt  }
0x4a: {  	_ =	shalt  }
0x4b: {  	_ =	shalt  }
0x4c: {  	_ =	shalt  }
0x4d: {  	_ =	shalt  }
0x4e: {  	_ =	shalt  }
0x4f: {  	_ =	shalt  }
0x50: {  	_ =	shalt  }
0x51: {  	_ =	shalt  }
0x52: {  	_ =	shalt  }
0x53: {  	_ =	shalt  }
0x54: {  	_ =	shalt  }
0x55: {  	_ =	shalt  }
0x56: {  	_ =	shalt  }
0x57: {  	_ =	shalt  }
0x58: {  	_ =	shalt  }
0x59: {  	_ =	shalt  }
0x5a: {  	_ =	shalt  }
0x5b: {  	_ =	shalt  }
0x5c: {  	_ =	shalt  }
0x5d: {  	_ =	shalt  }
0x5e: {  	_ =	shalt  }
0x5f: {  	_ =	shalt  }
0x60: {  	_ =	shalt  }
0x61: {  	_ =	shalt  }
0x62: {  	_ =	shalt  }
0x63: {  	_ =	shalt  }
0x64: {  	_ =	shalt  }
0x65: {  	_ =	shalt  }
0x66: {  	_ =	shalt  }
0x67: {  	_ =	shalt  }
0x68: {  	_ =	shalt  }
0x69: {  	_ =	shalt  }
0x6a: {  	_ =	shalt  }
0x6b: {  	_ =	shalt  }
0x6c: {  	_ =	shalt  }
0x6d: {  	_ =	shalt  }
0x6e: {  	_ =	shalt  }
0x6f: {  	_ =	shalt  }
0x70: {  	_ =	shalt  }
0x71: {  	_ =	shalt  }
0x72: {  	_ =	shalt  }
0x73: {  	_ =	shalt  }
0x74: {  	_ =	shalt  }
0x75: {  	_ =	shalt  }
0x76: {  	_ =	shalt  }
0x77: {  	_ =	shalt  }
0x78: {  	_ =	shalt  }
0x79: {  	_ =	shalt  }
0x7a: {  	_ =	shalt  }
0x7b: {  	_ =	shalt  }
0x7c: {  	_ =	shalt  }
0x7d: {  	_ =	shalt  }
0x7e: {  	_ =	shalt  }
0x7f: {  	_ =	shalt  }
0x80: {  	_ =	shalt  }
0x81: {  	_ =	shalt  }
0x82: {  	_ =	shalt  }
0x83: {  	_ =	shalt  }
0x84: {  	_ =	shalt  }
0x85: {  	_ =	shalt  }
0x86: {  	_ =	shalt  }
0x87: {  	_ =	shalt  }
.Lfunc_end0:
.L_simem_size_0:
called_computation_lowered:
.L_overlay_start_0:
0x88: {  	s2 =	sld [smem:$0x3FD9]  }
0x89: {  	s3 =	sld [smem:$0x3FFE];
	_ =	sdelay $0x1  }
0x8a: {  	s1 =	srdreg.scid  }
0x8b: {  	s0 =	sand.u32 $0x1, s1  }
0x8c: {  	s18 =	sshll.u32 s0, $0xA;
	s2 =	sadd.s32 s3, s2  }
0x8d: {  	s2 =	sadd.s32 s2, s18  }
0x8e: {  	[smem:$0x3FC6] =	sst s2  }
0x8f: {  	_ = 	snop  }
0x90: {  	s2 =	sld [smem:$0x3FC9]  }
0x91: {  	s19 =	sld [smem:$0x3FC8]  }
0x92: {  	s4 =	sld [smem:$0x3FD0];
	(tm) =	ssettm $0x1  }
0x93: {  	s5 =	sld [smem:$0x3FFB];
	_ =	sdelay $0x3  }
0x94: {  	_ =	strace s5  }
0x95: {  	s5 =	sld [smem:$0x3FFC];
	_ =	sdelay $0x3  }
0x96: {  	_ =	strace s5  }
0x97: {  	s5 =	sld [smem:$0x3FFD];
	_ =	sdelay $0x3  }
0x98: {  	_ =	strace s5  }
0x99: {  	_ =	strace $0x8FFFFFFF  }
0x9a: {  	s20 =	sld [smem:$0x3FDB];
	_ =	sdelay $0x1  }
0x9b: {  	s6 =	simm.s32 $_scs_section_size  }
0x9c: {  	s7 =	simm.s32 $_size__tile_overlayer_lowered;
	s8 =	simm.s32 $_tile_overlayer_lowered  }
0x9d: {  	s23 =	simm.s32 $0x1BFF;
	s22 =	sshll.u32 s8, $0x1;
	s5 =	sadd.s32 s6, s20  }
0x9e: {  	s9 =	simm.s32 $0x0;
	s21 =	sshll.u32 s7, $0x1;
	s7 =	sadd.s32 s22, s5  }
0x9f: {  	[timem:s9], [sflag:s23] =	dma.local [hbm:s7], s21  }
0xa0: {  	_ =	swait.ge [sflag:s23], s21  }
0xa1: {  	s6 =	ssub.s32 $0x0, s21;
	[sflag:s23] =	ssyncset.done $0x0  }
0xa2: {  	[sflag:s23] =	ssyncadd.s32 s6;
	_ =	sdelay $0x1  }
0xa3: {  	s24 =	simm.s32 $0x1B8B  }
0xa4: {  	_ =	swait.ge [sflag:s24], $0x1  }
0xa5: {  	[sflag:s24] =	ssyncset.done $0x0  }
0xa6: {  	s25 =	simm.s32 $0x1B8E;
	[sflag:s24] =	ssyncadd.s32 $0xFFFFFFFF  }
0xa7: {  	s26 =	simm.s32 $execute0_lowered;
	[smem:$0x3FD2] =	sst s25  }
0xa8: {  	s6 =	sshll.u32 s26, $0x1;
	_ =	strace $0x80000046;
	[dreg:$0x1] =	wrdreg $0xFFFFFFFF  }
0xa9: {  	s28 =	simm.s32 $_size_execute0_lowered;
	s5 =	sadd.s32 s5, s6;
	[dreg:$0x0] =	wrdreg $0x0  }
0xaa: {  	s6 =	sshll.u32 s28, $0x1;
	[dreg:$0x2] =	wrdreg s5  }
0xab: {  	[dreg:$0x3] =	wrdreg s6  }
0xac: {  	[dreg:$0x4] =	wrdreg $0xC0  }
0xad: {  	_ =	task [dreg:s9], $0x5FFFF  }
0xae: {  	[dreg:$0x1] =	wrdreg $0xFFFFFFFF  }
0xaf: {  	[dreg:$0x0] =	wrdreg $0x60  }
0xb0: {  	[dreg:$0x2] =	wrdreg s2  }
0xb1: {  	[dreg:$0x3] =	wrdreg s19  }
0xb2: {  	[dreg:$0x4] =	wrdreg s4  }
0xb3: {  	[dreg:$0x5] =	wrdreg $0x9  }
0xb4: {  	_ =	task.clear_ibuf [dreg:s9], $0x6FFFF;
	_ =	strace $0x90000046  }
0xb5: {  	s29 =	simm.s32 $0x9;
	_ =	strace $0x80000048  }
0xb6: {  	_ =	swait.ge [sflag:s29], $0x1  }
0xb7: {  	[sflag:s29] =	ssyncadd.s32 $0xFFFFFFFF  }
0xb8: {  	_ =	strace $0x90000048  }
0xb9: {  	_ =	sfence  }
0xba: {  	s30 =	sld [smem:$0x0];
	_ =	sdelay $0x2  }
0xbb: {  	s31 =	sshll.u32 s1, $0xD;
	s1 =	sshrl.u32 s1, $0x2  }
0xbc: {  	s3 =	sand.u32 $0x4000, s31;
	s1 =	sadd.s32 s1, s30  }
0xbd: {  	s0 =	sor.u32 s3, s0;
	s1 =	sshll.u32 s1, $0x11  }
0xbe: {  	s0 =	sor.u32 s1, s0  }
0xbf: {  	s0 =	sadd.s32 $0x8F2B, s0  }
0xc0: {  	[sflag:s0] =	ssyncadd.remote.s32 $0x1  }
0xc1: {  	_ =	sfence.sel $0xFFFF  }
0xc2: {  	[dreg:$0x0] =	wrdreg $0xFFFFFFFF;
	(pc) =	sbr.abs _section_cstart, $3  }
0xc3: {  	[dreg:$0x1] =	wrdreg $0xFFFFFFFF  }
0xc4: {  	_ =	task.clear_ibuf [dreg:s9], $0x2FFFF;
	_ =	strace $0x9FFFFFFF  }
0xc5: {  	(tm) =	ssettm $0x7FFFFFFF  }
tec
execute0_lowered:
.L_overlay_start_1:
0x0: {  	(tag) =	ssettag $0x1  }
0x1: {  	s0 =	srdreg.scid;
	s1 =	rddreg [dreg:$0x0]  }
0x2: {  	s2 =	stileid.u32;
	s19 =	rddreg [dreg:$0x2];
	s3 =	simm.s32 $0x0  }
0x3: {  	s21 =	simm.s32 $0x9;
	s22 =	simm.s32 $0x1;
	s23 =	simm.s32 $0x2  }
0x4: {  	s24 =	simm.s32 $0x3;
	s25 =	simm.s32 $0x4;
	s26 =	simm.s32 $0x5  }
0x5: {  	s28 =	simm.s32 $0x6;
	s0 =	sand.u32 $0x1, s0;
	s2 =	sshll.u32 s2, $0x1  }
0x6: {  	s29 =	simm.s32 $0x7;
	s2 =	sor.u32 s0, s2;
	s0 =	ssub.s32 $0x2, s0  }
0x7: {  	s30 =	simm.s32 $0x8;
	s2 =	smul.u32 $0x19000, s2;
	s4 =	sshrl.u32 s0, $0x1  }
0x8: {  	s31 =	simm.s32 $0x0;
	[smem:$0x7FF] =	sst s3;
	s0 =	ssub.s32 s0, s4  }
0x9: {  	_ =	strace $0x80000047;
	s2 =	sshrl.u32 s2, $0x3;
	s0 =	smax.u32 s0, $0x1  }
0xa: {  	s4 =	sadd.s32 s1, s2;
	s10 =	sadd.s32 $0x640, s2;
	s12 =	sadd.s32 $0xC80, s2  }
0xb: {  	s14 =	sadd.s32 $0x12C0, s2;
	s8 =	sadd.s32 s19, s2;
	s16 =	sadd.s32 $0x1900, s2  }
0xc: {  	s17 =	sadd.s32 $0x1F40, s2;
	s18 =	sadd.s32 $0x2580, s2;
	s2 =	sadd.s32 $0x2BC0, s2  }
0xd: {  	[dreg:$0x4] =	wrdreg s0;
	s5 =	sadd.s32 s1, s10;
	s6 =	sadd.s32 s1, s12  }
0xe: {  	s7 =	sadd.s32 s1, s14;
	s9 =	sadd.s32 s1, s16;
	s10 =	sadd.s32 s19, s10  }
0xf: {  	s11 =	sadd.s32 s1, s17;
	s12 =	sadd.s32 s19, s12;
	s13 =	sadd.s32 s1, s18  }
0x10: {  	s14 =	sadd.s32 s19, s14;
	s15 =	sadd.s32 s1, s2;
	s16 =	sadd.s32 s19, s16  }
0x11: {  	s17 =	sadd.s32 s19, s17;
	s18 =	sadd.s32 s19, s18;
	s19 =	sadd.s32 s19, s2  }
.LBB2_1:
0x12: {  	s0 =	rddreg [dreg:$0x1];
	s1 =	simm.s32 $0x10  }
0x13: {  	[tilespmem:s3], [sflag:$0x9] =	stream.linear.gather [hbm4b:s0+s3], $0x100, $0x38;
	[tilespmem:$0x19100] =	vst v63  }
0x14: {  	s20 =	sadd.s32 $0x0, s4;
	s2 =	simm.s32 $0x300;
	s0 =	simm.s32 $0x100  }
.LBB2_2:
0x15: {  	[tilespmem:s0], [sflag:$0x1] =	stream.linear.gather [hbm4b:s20+s3], $0x80, $0x38;
	[tilespmem:$0x19100] =	vst v63  }
0x16: {  	s20 =	smov.u32 s1;
	s0 =	smov.u32 s2;
	p0 =	sne.s32 s1, $0x630  }
.Ltmp0:
0x17: {  	s1 =	sadd.s32 $0x10, s1;
	(pc) =	sbr.rel @p0 .LBB2_2-.Ltmp0, $2  }
0x18: {  	_ =	sdelay $0x2  }
0x19: {  	s2 =	sadd.s32 $0x200, s2;
	s20 =	sadd.s32 s20, s4  }
0x1a: {  	[tilespmem:s0], [sflag:$0x1] =	stream.linear.gather [hbm4b:s20+s3], $0x80, $0x38;
	[tilespmem:$0x19100] =	vst v63  }
0x1b: {  	s0 =	simm.s32 $0x180  }
0x1c: {  	s1 =	simm.s32 $0x10;
	s20 =	sadd.s32 $0x0, s5;
	s2 =	simm.s32 $0x380  }
.LBB2_4:
0x1d: {  	[tilespmem:s0], [sflag:$0x2] =	stream.linear.gather [hbm4b:s20+s3], $0x80, $0x38;
	[tilespmem:$0x19100] =	vst v63  }
0x1e: {  	s20 =	smov.u32 s1;
	s0 =	smov.u32 s2;
	p0 =	sne.s32 s1, $0x630  }
.Ltmp1:
0x1f: {  	s1 =	sadd.s32 $0x10, s1;
	(pc) =	sbr.rel @p0 .LBB2_4-.Ltmp1, $2  }
0x20: {  	_ =	sdelay $0x2  }
0x21: {  	s2 =	sadd.s32 $0x200, s2;
	s20 =	sadd.s32 s20, s5  }
0x22: {  	[tilespmem:s0], [sflag:$0x2] =	stream.linear.gather [hbm4b:s20+s3], $0x80, $0x38;
	[tilespmem:$0x19100] =	vst v63  }
0x23: {  	s0 =	simm.s32 $0x200  }
0x24: {  	s1 =	simm.s32 $0x10;
	s20 =	sadd.s32 $0x0, s6;
	s2 =	simm.s32 $0x400  }
.LBB2_6:
0x25: {  	[tilespmem:s0], [sflag:$0x3] =	stream.linear.gather [hbm4b:s20+s3], $0x80, $0x38;
	[tilespmem:$0x19100] =	vst v63  }
0x26: {  	s20 =	smov.u32 s1;
	s0 =	smov.u32 s2;
	p0 =	sne.s32 s1, $0x630  }
.Ltmp2:
0x27: {  	s1 =	sadd.s32 $0x10, s1;
	(pc) =	sbr.rel @p0 .LBB2_6-.Ltmp2, $2  }
0x28: {  	_ =	sdelay $0x2  }
0x29: {  	s2 =	sadd.s32 $0x200, s2;
	s20 =	sadd.s32 s20, s6  }
0x2a: {  	[tilespmem:s0], [sflag:$0x3] =	stream.linear.gather [hbm4b:s20+s3], $0x80, $0x38;
	[tilespmem:$0x19100] =	vst v63  }
0x2b: {  	s0 =	simm.s32 $0x280  }
0x2c: {  	s1 =	simm.s32 $0x10;
	s20 =	sadd.s32 $0x0, s7;
	s2 =	simm.s32 $0x480  }
.LBB2_8:
0x2d: {  	[tilespmem:s0], [sflag:$0x4] =	stream.linear.gather [hbm4b:s20+s3], $0x80, $0x38;
	[tilespmem:$0x19100] =	vst v63  }
0x2e: {  	s20 =	smov.u32 s1;
	s0 =	smov.u32 s2;
	p0 =	sne.s32 s1, $0x630  }
.Ltmp3:
0x2f: {  	s1 =	sadd.s32 $0x10, s1;
	(pc) =	sbr.rel @p0 .LBB2_8-.Ltmp3, $2  }
0x30: {  	_ =	sdelay $0x2  }
0x31: {  	s2 =	sadd.s32 $0x200, s2;
	s20 =	sadd.s32 s20, s7  }
0x32: {  	[tilespmem:s0], [sflag:$0x4] =	stream.linear.gather [hbm4b:s20+s3], $0x80, $0x38;
	[tilespmem:$0x19100] =	vst v63  }
0x33: {  	_ =	swait.ge [sflag:s21], $0x100  }
0x34: {  	[sflag:s21] =	ssyncset.done $0x0  }
0x35: {  	[sflag:s21] =	ssyncadd.s32 $0xFFFFFF00  }
0x36: {  	_ =	swait.ge [sflag:s22], $0x3200  }
0x37: {  	[sflag:s22] =	ssyncset.done $0x0  }
0x38: {  	s20 =	simm.s32 $0x300;
	[sflag:s22] =	ssyncadd.s32 $0xFFFFCE00  }
0x39: {  	v0 =	vld [tilespmem:s20+$0x70]  }
0x3a: {  	v1 =	vld [tilespmem:s20+$0xFFFFFE10]  }
0x3b: {  	v2 =	vld [tilespmem:s20+$0xFFFFFE20]  }
0x3c: {  	v3 =	vld [tilespmem:s20+$0xFFFFFE30]  }
0x3d: {  	v4 =	vld [tilespmem:s20+$0xFFFFFE40]  }
0x3e: {  	v5 =	vld [tilespmem:s20+$0xFFFFFE50]  }
0x3f: {  	v6 =	vld [tilespmem:s20+$0xFFFFFE60]  }
0x40: {  	v7 =	vld [tilespmem:s20+$0xFFFFFE70]  }
0x41: {  	v8 =	vld [tilespmem:s20+$0x0]  }
0x42: {  	v9 =	vld [tilespmem:s20+$0x10]  }
0x43: {  	v10 =	vld [tilespmem:s20+$0x20]  }
0x44: {  	v11 =	vld [tilespmem:s20+$0x30]  }
0x45: {  	v12 =	vld [tilespmem:s20+$0x40]  }
0x46: {  	v13 =	vld [tilespmem:s20+$0x50]  }
0x47: {  	v14 =	vld [tilespmem:s20+$0x60]  }
0x48: {  	v15 =	vld [tilespmem:s20+$0xFFFFFE00]  }
0x49: {  	v0 =	vld.idx.msk [tilespmem:v0+s3+$0x0], $0xffff  }
0x4a: {  	v1 =	vld.idx.msk [tilespmem:v1+s3+$0x0], $0xffff  }
0x4b: {  	v2 =	vld.idx.msk [tilespmem:v2+s3+$0x0], $0xffff  }
0x4c: {  	v3 =	vld.idx.msk [tilespmem:v3+s3+$0x0], $0xffff  }
0x4d: {  	v4 =	vld.idx.msk [tilespmem:v4+s3+$0x0], $0xffff  }
0x4e: {  	s1 =	simm.s32 $0xCB00;
	v5 =	vld.idx.msk [tilespmem:v5+s3+$0x0], $0xffff  }
0x4f: {  	v6 =	vld.idx.msk [tilespmem:v6+s3+$0x0], $0xffff;
	[tilespmem:s1+$0x70] =	vst v0  }
0x50: {  	v7 =	vld.idx.msk [tilespmem:v7+s3+$0x0], $0xffff;
	[tilespmem:s1+$0xFFFFFE10] =	vst v1  }
0x51: {  	v15 =	vld.idx.msk [tilespmem:v15+s3+$0x0], $0xffff;
	[tilespmem:s1+$0xFFFFFE20] =	vst v2  }
0x52: {  	v8 =	vld.idx.msk [tilespmem:v8+s3+$0x0], $0xffff;
	[tilespmem:s1+$0xFFFFFE30] =	vst v3  }
0x53: {  	[tilespmem:s1+$0xFFFFFE40] =	vst v4;
	v0 =	vld.idx.msk [tilespmem:v9+s3+$0x0], $0xffff  }
0x54: {  	[tilespmem:s1+$0xFFFFFE50] =	vst v5;
	v1 =	vld.idx.msk [tilespmem:v10+s3+$0x0], $0xffff  }
0x55: {  	[tilespmem:s1+$0xFFFFFE60] =	vst v6;
	v2 =	vld.idx.msk [tilespmem:v11+s3+$0x0], $0xffff  }
0x56: {  	[tilespmem:s1+$0xFFFFFE70] =	vst v7;
	v3 =	vld.idx.msk [tilespmem:v12+s3+$0x0], $0xffff  }
0x57: {  	[tilespmem:s1+$0xFFFFFE00] =	vst v15;
	v4 =	vld.idx.msk [tilespmem:v13+s3+$0x0], $0xffff  }
0x58: {  	s0 =	simm.s32 $0x0;
	s2 =	simm.s32 $0x700;
	[tilespmem:s1+$0x0] =	vst v8;
	v5 =	vld.idx.msk [tilespmem:v14+s3+$0x0], $0xffff  }
.LBB2_10:
0x59: {  	v6 =	vld [tilespmem:s2+$0x70];
	s0 =	sadd.s32 $0x10, s0;
	[tilespmem:s1+$0x10] =	vst v0  }
0x5a: {  	v0 =	vld [tilespmem:s2+$0xFFFFFE10];
	p0 =	slt.u32 s0, $0x310;
	[tilespmem:s1+$0x20] =	vst v1  }
0x5b: {  	v1 =	vld [tilespmem:s2+$0xFFFFFE20];
	[tilespmem:s1+$0x30] =	vst v2  }
0x5c: {  	v2 =	vld [tilespmem:s2+$0xFFFFFE30];
	[tilespmem:s1+$0x40] =	vst v3  }
0x5d: {  	v3 =	vld [tilespmem:s2+$0xFFFFFE40];
	[tilespmem:s1+$0x50] =	vst v4  }
0x5e: {  	v4 =	vld [tilespmem:s2+$0xFFFFFE50];
	[tilespmem:s1+$0x60] =	vst v5  }
0x5f: {  	v5 =	vld [tilespmem:s2+$0xFFFFFE60]  }
0x60: {  	v7 =	vld [tilespmem:s2+$0xFFFFFE70]  }
0x61: {  	v6 =	vld.idx.msk [tilespmem:v6+s3+$0x0], $0xffff  }
0x62: {  	v8 =	vld [tilespmem:s2+$0x0]  }
0x63: {  	v9 =	vld [tilespmem:s2+$0x10]  }
0x64: {  	v10 =	vld [tilespmem:s2+$0x20]  }
0x65: {  	v11 =	vld [tilespmem:s2+$0x30]  }
0x66: {  	s1 =	sadd.s32 $0x400, s1;
	v12 =	vld [tilespmem:s2+$0x40]  }
0x67: {  	v13 =	vld [tilespmem:s2+$0x50];
	[tilespmem:s1+$0x70] =	vst v6  }
0x68: {  	v6 =	vld [tilespmem:s2+$0x60]  }
0x69: {  	v14 =	vld [tilespmem:s2+$0xFFFFFE00]  }
0x6a: {  	v0 =	vld.idx.msk [tilespmem:v0+s3+$0x0], $0xffff  }
0x6b: {  	v1 =	vld.idx.msk [tilespmem:v1+s3+$0x0], $0xffff  }
0x6c: {  	v2 =	vld.idx.msk [tilespmem:v2+s3+$0x0], $0xffff  }
0x6d: {  	v3 =	vld.idx.msk [tilespmem:v3+s3+$0x0], $0xffff  }
0x6e: {  	v4 =	vld.idx.msk [tilespmem:v4+s3+$0x0], $0xffff  }
0x6f: {  	v5 =	vld.idx.msk [tilespmem:v5+s3+$0x0], $0xffff  }
0x70: {  	[tilespmem:s1+$0xFFFFFE10] =	vst v0;
	v7 =	vld.idx.msk [tilespmem:v7+s3+$0x0], $0xffff  }
0x71: {  	v14 =	vld.idx.msk [tilespmem:v14+s3+$0x0], $0xffff;
	[tilespmem:s1+$0xFFFFFE20] =	vst v1  }
0x72: {  	[tilespmem:s1+$0xFFFFFE30] =	vst v2;
	v8 =	vld.idx.msk [tilespmem:v8+s3+$0x0], $0xffff  }
0x73: {  	[tilespmem:s1+$0xFFFFFE40] =	vst v3;
	v0 =	vld.idx.msk [tilespmem:v9+s3+$0x0], $0xffff  }
.Ltmp4:
0x74: {  	[tilespmem:s1+$0xFFFFFE50] =	vst v4;
	v1 =	vld.idx.msk [tilespmem:v10+s3+$0x0], $0xffff;
	(pc) =	sbr.rel @p0 .LBB2_10-.Ltmp4, $4  }
0x75: {  	[tilespmem:s1+$0xFFFFFE60] =	vst v5;
	v2 =	vld.idx.msk [tilespmem:v11+s3+$0x0], $0xffff  }
0x76: {  	[tilespmem:s1+$0xFFFFFE70] =	vst v7;
	v3 =	vld.idx.msk [tilespmem:v12+s3+$0x0], $0xffff  }
0x77: {  	[tilespmem:s1+$0xFFFFFE00] =	vst v14;
	v4 =	vld.idx.msk [tilespmem:v13+s3+$0x0], $0xffff  }
0x78: {  	s2 =	sadd.s32 $0x400, s2;
	[tilespmem:s1+$0x0] =	vst v8;
	v5 =	vld.idx.msk [tilespmem:v6+s3+$0x0], $0xffff  }
0x79: {  	[tilespmem:s1+$0x10] =	vst v0  }
0x7a: {  	[tilespmem:s1+$0x20] =	vst v1  }
0x7b: {  	[tilespmem:s1+$0x30] =	vst v2  }
0x7c: {  	[tilespmem:s1+$0x40] =	vst v3  }
0x7d: {  	s0 =	simm.s32 $0xC900;
	[tilespmem:s1+$0x50] =	vst v4  }
0x7e: {  	s20 =	sadd.s32 $0x0, s8;
	s2 =	simm.s32 $0xCB00;
	[tilespmem:s1+$0x60] =	vst v5;
	s1 =	simm.s32 $0x10  }
.LBB2_12:
0x7f: {  	[hbm4b:s20+s3] =	stream.linear.scatter [tilespmem:s0], [sflag:$0x5], $0x80, $0x38;
	[tilespmem:$0x19100] =	vst v63  }
0x80: {  	s20 =	smov.u32 s1;
	s0 =	smov.u32 s2;
	p0 =	sne.s32 s1, $0x630  }
.Ltmp5:
0x81: {  	s1 =	sadd.s32 $0x10, s1;
	(pc) =	sbr.rel @p0 .LBB2_12-.Ltmp5, $2  }
0x82: {  	_ =	sdelay $0x2  }
0x83: {  	s2 =	sadd.s32 $0x200, s2;
	s20 =	sadd.s32 s20, s8  }
0x84: {  	[hbm4b:s20+s3] =	stream.linear.scatter [tilespmem:s0], [sflag:$0x5], $0x80, $0x38;
	[tilespmem:$0x19100] =	vst v63  }
0x85: {  	s0 =	simm.s32 $0x100  }
0x86: {  	s1 =	simm.s32 $0x10;
	s20 =	sadd.s32 $0x0, s9;
	s2 =	simm.s32 $0x300  }
.LBB2_14:
0x87: {  	[tilespmem:s0], [sflag:$0x1] =	stream.linear.gather [hbm4b:s20+s3], $0x80, $0x38;
	[tilespmem:$0x19100] =	vst v63  }
0x88: {  	s20 =	smov.u32 s1;
	s0 =	smov.u32 s2;
	p0 =	sne.s32 s1, $0x630  }
.Ltmp6:
0x89: {  	s1 =	sadd.s32 $0x10, s1;
	(pc) =	sbr.rel @p0 .LBB2_14-.Ltmp6, $2  }
0x8a: {  	_ =	sdelay $0x2  }
0x8b: {  	s2 =	sadd.s32 $0x200, s2;
	s20 =	sadd.s32 s20, s9  }
0x8c: {  	[tilespmem:s0], [sflag:$0x1] =	stream.linear.gather [hbm4b:s20+s3], $0x80, $0x38;
	[tilespmem:$0x19100] =	vst v63  }
0x8d: {  	_ =	swait.ge [sflag:s23], $0x3200  }
0x8e: {  	[sflag:s23] =	ssyncset.done $0x0  }
0x8f: {  	s20 =	simm.s32 $0x380;
	[sflag:s23] =	ssyncadd.s32 $0xFFFFCE00  }
0x90: {  	v0 =	vld [tilespmem:s20+$0x70]  }
0x91: {  	v1 =	vld [tilespmem:s20+$0xFFFFFE10]  }
0x92: {  	v2 =	vld [tilespmem:s20+$0xFFFFFE20]  }
0x93: {  	v3 =	vld [tilespmem:s20+$0xFFFFFE30]  }
0x94: {  	v4 =	vld [tilespmem:s20+$0xFFFFFE40]  }
0x95: {  	v5 =	vld [tilespmem:s20+$0xFFFFFE50]  }
0x96: {  	v6 =	vld [tilespmem:s20+$0xFFFFFE60]  }
0x97: {  	v7 =	vld [tilespmem:s20+$0xFFFFFE70]  }
0x98: {  	v8 =	vld [tilespmem:s20+$0x0]  }
0x99: {  	v9 =	vld [tilespmem:s20+$0x10]  }
0x9a: {  	v10 =	vld [tilespmem:s20+$0x20]  }
0x9b: {  	v11 =	vld [tilespmem:s20+$0x30]  }
0x9c: {  	v12 =	vld [tilespmem:s20+$0x40]  }
0x9d: {  	v13 =	vld [tilespmem:s20+$0x50]  }
0x9e: {  	v14 =	vld [tilespmem:s20+$0x60]  }
0x9f: {  	v15 =	vld [tilespmem:s20+$0xFFFFFE00]  }
0xa0: {  	v0 =	vld.idx.msk [tilespmem:v0+s3+$0x0], $0xffff  }
0xa1: {  	v1 =	vld.idx.msk [tilespmem:v1+s3+$0x0], $0xffff  }
0xa2: {  	v2 =	vld.idx.msk [tilespmem:v2+s3+$0x0], $0xffff  }
0xa3: {  	v3 =	vld.idx.msk [tilespmem:v3+s3+$0x0], $0xffff  }
0xa4: {  	v4 =	vld.idx.msk [tilespmem:v4+s3+$0x0], $0xffff  }
0xa5: {  	s1 =	simm.s32 $0xCB80;
	v5 =	vld.idx.msk [tilespmem:v5+s3+$0x0], $0xffff  }
0xa6: {  	v6 =	vld.idx.msk [tilespmem:v6+s3+$0x0], $0xffff;
	[tilespmem:s1+$0x70] =	vst v0  }
0xa7: {  	v7 =	vld.idx.msk [tilespmem:v7+s3+$0x0], $0xffff;
	[tilespmem:s1+$0xFFFFFE10] =	vst v1  }
0xa8: {  	v15 =	vld.idx.msk [tilespmem:v15+s3+$0x0], $0xffff;
	[tilespmem:s1+$0xFFFFFE20] =	vst v2  }
0xa9: {  	v8 =	vld.idx.msk [tilespmem:v8+s3+$0x0], $0xffff;
	[tilespmem:s1+$0xFFFFFE30] =	vst v3  }
0xaa: {  	[tilespmem:s1+$0xFFFFFE40] =	vst v4;
	v0 =	vld.idx.msk [tilespmem:v9+s3+$0x0], $0xffff  }
0xab: {  	[tilespmem:s1+$0xFFFFFE50] =	vst v5;
	v1 =	vld.idx.msk [tilespmem:v10+s3+$0x0], $0xffff  }
0xac: {  	[tilespmem:s1+$0xFFFFFE60] =	vst v6;
	v2 =	vld.idx.msk [tilespmem:v11+s3+$0x0], $0xffff  }
0xad: {  	[tilespmem:s1+$0xFFFFFE70] =	vst v7;
	v3 =	vld.idx.msk [tilespmem:v12+s3+$0x0], $0xffff  }
0xae: {  	[tilespmem:s1+$0xFFFFFE00] =	vst v15;
	v4 =	vld.idx.msk [tilespmem:v13+s3+$0x0], $0xffff  }
0xaf: {  	s0 =	simm.s32 $0x0;
	s2 =	simm.s32 $0x780;
	[tilespmem:s1+$0x0] =	vst v8;
	v5 =	vld.idx.msk [tilespmem:v14+s3+$0x0], $0xffff  }
.LBB2_16:
0xb0: {  	v6 =	vld [tilespmem:s2+$0x70];
	s0 =	sadd.s32 $0x10, s0;
	[tilespmem:s1+$0x10] =	vst v0  }
0xb1: {  	v0 =	vld [tilespmem:s2+$0xFFFFFE10];
	p0 =	slt.u32 s0, $0x310;
	[tilespmem:s1+$0x20] =	vst v1  }
0xb2: {  	v1 =	vld [tilespmem:s2+$0xFFFFFE20];
	[tilespmem:s1+$0x30] =	vst v2  }
0xb3: {  	v2 =	vld [tilespmem:s2+$0xFFFFFE30];
	[tilespmem:s1+$0x40] =	vst v3  }
0xb4: {  	v3 =	vld [tilespmem:s2+$0xFFFFFE40];
	[tilespmem:s1+$0x50] =	vst v4  }
0xb5: {  	v4 =	vld [tilespmem:s2+$0xFFFFFE50];
	[tilespmem:s1+$0x60] =	vst v5  }
0xb6: {  	v5 =	vld [tilespmem:s2+$0xFFFFFE60]  }
0xb7: {  	v7 =	vld [tilespmem:s2+$0xFFFFFE70]  }
0xb8: {  	v6 =	vld.idx.msk [tilespmem:v6+s3+$0x0], $0xffff  }
0xb9: {  	v8 =	vld [tilespmem:s2+$0x0]  }
0xba: {  	v9 =	vld [tilespmem:s2+$0x10]  }
0xbb: {  	v10 =	vld [tilespmem:s2+$0x20]  }
0xbc: {  	v11 =	vld [tilespmem:s2+$0x30]  }
0xbd: {  	s1 =	sadd.s32 $0x400, s1;
	v12 =	vld [tilespmem:s2+$0x40]  }
0xbe: {  	v13 =	vld [tilespmem:s2+$0x50];
	[tilespmem:s1+$0x70] =	vst v6  }
0xbf: {  	v6 =	vld [tilespmem:s2+$0x60]  }
0xc0: {  	v14 =	vld [tilespmem:s2+$0xFFFFFE00]  }
0xc1: {  	v0 =	vld.idx.msk [tilespmem:v0+s3+$0x0], $0xffff  }
0xc2: {  	v1 =	vld.idx.msk [tilespmem:v1+s3+$0x0], $0xffff  }
0xc3: {  	v2 =	vld.idx.msk [tilespmem:v2+s3+$0x0], $0xffff  }
0xc4: {  	v3 =	vld.idx.msk [tilespmem:v3+s3+$0x0], $0xffff  }
0xc5: {  	v4 =	vld.idx.msk [tilespmem:v4+s3+$0x0], $0xffff  }
0xc6: {  	v5 =	vld.idx.msk [tilespmem:v5+s3+$0x0], $0xffff  }
0xc7: {  	[tilespmem:s1+$0xFFFFFE10] =	vst v0;
	v7 =	vld.idx.msk [tilespmem:v7+s3+$0x0], $0xffff  }
0xc8: {  	v14 =	vld.idx.msk [tilespmem:v14+s3+$0x0], $0xffff;
	[tilespmem:s1+$0xFFFFFE20] =	vst v1  }
0xc9: {  	[tilespmem:s1+$0xFFFFFE30] =	vst v2;
	v8 =	vld.idx.msk [tilespmem:v8+s3+$0x0], $0xffff  }
0xca: {  	[tilespmem:s1+$0xFFFFFE40] =	vst v3;
	v0 =	vld.idx.msk [tilespmem:v9+s3+$0x0], $0xffff  }
.Ltmp7:
0xcb: {  	[tilespmem:s1+$0xFFFFFE50] =	vst v4;
	v1 =	vld.idx.msk [tilespmem:v10+s3+$0x0], $0xffff;
	(pc) =	sbr.rel @p0 .LBB2_16-.Ltmp7, $4  }
0xcc: {  	[tilespmem:s1+$0xFFFFFE60] =	vst v5;
	v2 =	vld.idx.msk [tilespmem:v11+s3+$0x0], $0xffff  }
0xcd: {  	[tilespmem:s1+$0xFFFFFE70] =	vst v7;
	v3 =	vld.idx.msk [tilespmem:v12+s3+$0x0], $0xffff  }
0xce: {  	[tilespmem:s1+$0xFFFFFE00] =	vst v14;
	v4 =	vld.idx.msk [tilespmem:v13+s3+$0x0], $0xffff  }
0xcf: {  	s2 =	sadd.s32 $0x400, s2;
	[tilespmem:s1+$0x0] =	vst v8;
	v5 =	vld.idx.msk [tilespmem:v6+s3+$0x0], $0xffff  }
0xd0: {  	[tilespmem:s1+$0x10] =	vst v0  }
0xd1: {  	[tilespmem:s1+$0x20] =	vst v1  }
0xd2: {  	[tilespmem:s1+$0x30] =	vst v2  }
0xd3: {  	[tilespmem:s1+$0x40] =	vst v3  }
0xd4: {  	s0 =	simm.s32 $0xC980;
	[tilespmem:s1+$0x50] =	vst v4  }
0xd5: {  	s20 =	sadd.s32 $0x0, s10;
	s2 =	simm.s32 $0xCB80;
	[tilespmem:s1+$0x60] =	vst v5;
	s1 =	simm.s32 $0x10  }
.LBB2_18:
0xd6: {  	[hbm4b:s20+s3] =	stream.linear.scatter [tilespmem:s0], [sflag:$0x6], $0x80, $0x38;
	[tilespmem:$0x19100] =	vst v63  }
0xd7: {  	s20 =	smov.u32 s1;
	s0 =	smov.u32 s2;
	p0 =	sne.s32 s1, $0x630  }
.Ltmp8:
0xd8: {  	s1 =	sadd.s32 $0x10, s1;
	(pc) =	sbr.rel @p0 .LBB2_18-.Ltmp8, $2  }
0xd9: {  	_ =	sdelay $0x2  }
0xda: {  	s2 =	sadd.s32 $0x200, s2;
	s20 =	sadd.s32 s20, s10  }
0xdb: {  	[hbm4b:s20+s3] =	stream.linear.scatter [tilespmem:s0], [sflag:$0x6], $0x80, $0x38;
	[tilespmem:$0x19100] =	vst v63  }
0xdc: {  	s0 =	simm.s32 $0x180  }
0xdd: {  	s1 =	simm.s32 $0x10;
	s20 =	sadd.s32 $0x0, s11;
	s2 =	simm.s32 $0x380  }
.LBB2_20:
0xde: {  	[tilespmem:s0], [sflag:$0x2] =	stream.linear.gather [hbm4b:s20+s3], $0x80, $0x38;
	[tilespmem:$0x19100] =	vst v63  }
0xdf: {  	s20 =	smov.u32 s1;
	s0 =	smov.u32 s2;
	p0 =	sne.s32 s1, $0x630  }
.Ltmp9:
0xe0: {  	s1 =	sadd.s32 $0x10, s1;
	(pc) =	sbr.rel @p0 .LBB2_20-.Ltmp9, $2  }
0xe1: {  	_ =	sdelay $0x2  }
0xe2: {  	s2 =	sadd.s32 $0x200, s2;
	s20 =	sadd.s32 s20, s11  }
0xe3: {  	[tilespmem:s0], [sflag:$0x2] =	stream.linear.gather [hbm4b:s20+s3], $0x80, $0x38;
	[tilespmem:$0x19100] =	vst v63  }
0xe4: {  	_ =	swait.ge [sflag:s24], $0x3200  }
0xe5: {  	[sflag:s24] =	ssyncset.done $0x0  }
0xe6: {  	s20 =	simm.s32 $0x400;
	[sflag:s24] =	ssyncadd.s32 $0xFFFFCE00  }
0xe7: {  	v0 =	vld [tilespmem:s20+$0x70]  }
0xe8: {  	v1 =	vld [tilespmem:s20+$0xFFFFFE10]  }
0xe9: {  	v2 =	vld [tilespmem:s20+$0xFFFFFE20]  }
0xea: {  	v3 =	vld [tilespmem:s20+$0xFFFFFE30]  }
0xeb: {  	v4 =	vld [tilespmem:s20+$0xFFFFFE40]  }
0xec: {  	v5 =	vld [tilespmem:s20+$0xFFFFFE50]  }
0xed: {  	v6 =	vld [tilespmem:s20+$0xFFFFFE60]  }
0xee: {  	v7 =	vld [tilespmem:s20+$0xFFFFFE70]  }
0xef: {  	v8 =	vld [tilespmem:s20+$0x0]  }
0xf0: {  	v9 =	vld [tilespmem:s20+$0x10]  }
0xf1: {  	v10 =	vld [tilespmem:s20+$0x20]  }
0xf2: {  	v11 =	vld [tilespmem:s20+$0x30]  }
0xf3: {  	v12 =	vld [tilespmem:s20+$0x40]  }
0xf4: {  	v13 =	vld [tilespmem:s20+$0x50]  }
0xf5: {  	v14 =	vld [tilespmem:s20+$0x60]  }
0xf6: {  	v15 =	vld [tilespmem:s20+$0xFFFFFE00]  }
0xf7: {  	v0 =	vld.idx.msk [tilespmem:v0+s3+$0x0], $0xffff  }
0xf8: {  	v1 =	vld.idx.msk [tilespmem:v1+s3+$0x0], $0xffff  }
0xf9: {  	v2 =	vld.idx.msk [tilespmem:v2+s3+$0x0], $0xffff  }
0xfa: {  	v3 =	vld.idx.msk [tilespmem:v3+s3+$0x0], $0xffff  }
0xfb: {  	v4 =	vld.idx.msk [tilespmem:v4+s3+$0x0], $0xffff  }
0xfc: {  	s1 =	simm.s32 $0xCC00;
	v5 =	vld.idx.msk [tilespmem:v5+s3+$0x0], $0xffff  }
0xfd: {  	v6 =	vld.idx.msk [tilespmem:v6+s3+$0x0], $0xffff;
	[tilespmem:s1+$0x70] =	vst v0  }
0xfe: {  	v7 =	vld.idx.msk [tilespmem:v7+s3+$0x0], $0xffff;
	[tilespmem:s1+$0xFFFFFE10] =	vst v1  }
0xff: {  	v15 =	vld.idx.msk [tilespmem:v15+s3+$0x0], $0xffff;
	[tilespmem:s1+$0xFFFFFE20] =	vst v2  }
0x100: {  	v8 =	vld.idx.msk [tilespmem:v8+s3+$0x0], $0xffff;
	[tilespmem:s1+$0xFFFFFE30] =	vst v3  }
0x101: {  	[tilespmem:s1+$0xFFFFFE40] =	vst v4;
	v0 =	vld.idx.msk [tilespmem:v9+s3+$0x0], $0xffff  }
0x102: {  	[tilespmem:s1+$0xFFFFFE50] =	vst v5;
	v1 =	vld.idx.msk [tilespmem:v10+s3+$0x0], $0xffff  }
0x103: {  	[tilespmem:s1+$0xFFFFFE60] =	vst v6;
	v2 =	vld.idx.msk [tilespmem:v11+s3+$0x0], $0xffff  }
0x104: {  	[tilespmem:s1+$0xFFFFFE70] =	vst v7;
	v3 =	vld.idx.msk [tilespmem:v12+s3+$0x0], $0xffff  }
0x105: {  	[tilespmem:s1+$0xFFFFFE00] =	vst v15;
	v4 =	vld.idx.msk [tilespmem:v13+s3+$0x0], $0xffff  }
0x106: {  	s0 =	simm.s32 $0x0;
	s2 =	simm.s32 $0x800;
	[tilespmem:s1+$0x0] =	vst v8;
	v5 =	vld.idx.msk [tilespmem:v14+s3+$0x0], $0xffff  }
.LBB2_22:
0x107: {  	v6 =	vld [tilespmem:s2+$0x70];
	s0 =	sadd.s32 $0x10, s0;
	[tilespmem:s1+$0x10] =	vst v0  }
0x108: {  	v0 =	vld [tilespmem:s2+$0xFFFFFE10];
	p0 =	slt.u32 s0, $0x310;
	[tilespmem:s1+$0x20] =	vst v1  }
0x109: {  	v1 =	vld [tilespmem:s2+$0xFFFFFE20];
	[tilespmem:s1+$0x30] =	vst v2  }
0x10a: {  	v2 =	vld [tilespmem:s2+$0xFFFFFE30];
	[tilespmem:s1+$0x40] =	vst v3  }
0x10b: {  	v3 =	vld [tilespmem:s2+$0xFFFFFE40];
	[tilespmem:s1+$0x50] =	vst v4  }
0x10c: {  	v4 =	vld [tilespmem:s2+$0xFFFFFE50];
	[tilespmem:s1+$0x60] =	vst v5  }
0x10d: {  	v5 =	vld [tilespmem:s2+$0xFFFFFE60]  }
0x10e: {  	v7 =	vld [tilespmem:s2+$0xFFFFFE70]  }
0x10f: {  	v6 =	vld.idx.msk [tilespmem:v6+s3+$0x0], $0xffff  }
0x110: {  	v8 =	vld [tilespmem:s2+$0x0]  }
0x111: {  	v9 =	vld [tilespmem:s2+$0x10]  }
0x112: {  	v10 =	vld [tilespmem:s2+$0x20]  }
0x113: {  	v11 =	vld [tilespmem:s2+$0x30]  }
0x114: {  	s1 =	sadd.s32 $0x400, s1;
	v12 =	vld [tilespmem:s2+$0x40]  }
0x115: {  	v13 =	vld [tilespmem:s2+$0x50];
	[tilespmem:s1+$0x70] =	vst v6  }
0x116: {  	v6 =	vld [tilespmem:s2+$0x60]  }
0x117: {  	v14 =	vld [tilespmem:s2+$0xFFFFFE00]  }
0x118: {  	v0 =	vld.idx.msk [tilespmem:v0+s3+$0x0], $0xffff  }
0x119: {  	v1 =	vld.idx.msk [tilespmem:v1+s3+$0x0], $0xffff  }
0x11a: {  	v2 =	vld.idx.msk [tilespmem:v2+s3+$0x0], $0xffff  }
0x11b: {  	v3 =	vld.idx.msk [tilespmem:v3+s3+$0x0], $0xffff  }
0x11c: {  	v4 =	vld.idx.msk [tilespmem:v4+s3+$0x0], $0xffff  }
0x11d: {  	v5 =	vld.idx.msk [tilespmem:v5+s3+$0x0], $0xffff  }
0x11e: {  	[tilespmem:s1+$0xFFFFFE10] =	vst v0;
	v7 =	vld.idx.msk [tilespmem:v7+s3+$0x0], $0xffff  }
0x11f: {  	v14 =	vld.idx.msk [tilespmem:v14+s3+$0x0], $0xffff;
	[tilespmem:s1+$0xFFFFFE20] =	vst v1  }
0x120: {  	[tilespmem:s1+$0xFFFFFE30] =	vst v2;
	v8 =	vld.idx.msk [tilespmem:v8+s3+$0x0], $0xffff  }
0x121: {  	[tilespmem:s1+$0xFFFFFE40] =	vst v3;
	v0 =	vld.idx.msk [tilespmem:v9+s3+$0x0], $0xffff  }
.Ltmp10:
0x122: {  	[tilespmem:s1+$0xFFFFFE50] =	vst v4;
	v1 =	vld.idx.msk [tilespmem:v10+s3+$0x0], $0xffff;
	(pc) =	sbr.rel @p0 .LBB2_22-.Ltmp10, $4  }
0x123: {  	[tilespmem:s1+$0xFFFFFE60] =	vst v5;
	v2 =	vld.idx.msk [tilespmem:v11+s3+$0x0], $0xffff  }
0x124: {  	[tilespmem:s1+$0xFFFFFE70] =	vst v7;
	v3 =	vld.idx.msk [tilespmem:v12+s3+$0x0], $0xffff  }
0x125: {  	[tilespmem:s1+$0xFFFFFE00] =	vst v14;
	v4 =	vld.idx.msk [tilespmem:v13+s3+$0x0], $0xffff  }
0x126: {  	s2 =	sadd.s32 $0x400, s2;
	[tilespmem:s1+$0x0] =	vst v8;
	v5 =	vld.idx.msk [tilespmem:v6+s3+$0x0], $0xffff  }
0x127: {  	[tilespmem:s1+$0x10] =	vst v0  }
0x128: {  	[tilespmem:s1+$0x20] =	vst v1  }
0x129: {  	[tilespmem:s1+$0x30] =	vst v2  }
0x12a: {  	[tilespmem:s1+$0x40] =	vst v3  }
0x12b: {  	s0 =	simm.s32 $0xCA00;
	[tilespmem:s1+$0x50] =	vst v4  }
0x12c: {  	s20 =	sadd.s32 $0x0, s12;
	s2 =	simm.s32 $0xCC00;
	[tilespmem:s1+$0x60] =	vst v5;
	s1 =	simm.s32 $0x10  }
.LBB2_24:
0x12d: {  	[hbm4b:s20+s3] =	stream.linear.scatter [tilespmem:s0], [sflag:$0x7], $0x80, $0x38;
	[tilespmem:$0x19100] =	vst v63  }
0x12e: {  	s20 =	smov.u32 s1;
	s0 =	smov.u32 s2;
	p0 =	sne.s32 s1, $0x630  }
.Ltmp11:
0x12f: {  	s1 =	sadd.s32 $0x10, s1;
	(pc) =	sbr.rel @p0 .LBB2_24-.Ltmp11, $2  }
0x130: {  	_ =	sdelay $0x2  }
0x131: {  	s2 =	sadd.s32 $0x200, s2;
	s20 =	sadd.s32 s20, s12  }
0x132: {  	[hbm4b:s20+s3] =	stream.linear.scatter [tilespmem:s0], [sflag:$0x7], $0x80, $0x38;
	[tilespmem:$0x19100] =	vst v63  }
0x133: {  	s0 =	simm.s32 $0x200  }
0x134: {  	s1 =	simm.s32 $0x10;
	s20 =	sadd.s32 $0x0, s13;
	s2 =	simm.s32 $0x400  }
.LBB2_26:
0x135: {  	[tilespmem:s0], [sflag:$0x3] =	stream.linear.gather [hbm4b:s20+s3], $0x80, $0x38;
	[tilespmem:$0x19100] =	vst v63  }
0x136: {  	s20 =	smov.u32 s1;
	s0 =	smov.u32 s2;
	p0 =	sne.s32 s1, $0x630  }
.Ltmp12:
0x137: {  	s1 =	sadd.s32 $0x10, s1;
	(pc) =	sbr.rel @p0 .LBB2_26-.Ltmp12, $2  }
0x138: {  	_ =	sdelay $0x2  }
0x139: {  	s2 =	sadd.s32 $0x200, s2;
	s20 =	sadd.s32 s20, s13  }
0x13a: {  	[tilespmem:s0], [sflag:$0x3] =	stream.linear.gather [hbm4b:s20+s3], $0x80, $0x38;
	[tilespmem:$0x19100] =	vst v63  }
0x13b: {  	_ =	swait.ge [sflag:s25], $0x3200  }
0x13c: {  	[sflag:s25] =	ssyncset.done $0x0  }
0x13d: {  	s20 =	simm.s32 $0x480;
	[sflag:s25] =	ssyncadd.s32 $0xFFFFCE00  }
0x13e: {  	v0 =	vld [tilespmem:s20+$0x70]  }
0x13f: {  	v1 =	vld [tilespmem:s20+$0xFFFFFE10]  }
0x140: {  	v2 =	vld [tilespmem:s20+$0xFFFFFE20]  }
0x141: {  	v3 =	vld [tilespmem:s20+$0xFFFFFE30]  }
0x142: {  	v4 =	vld [tilespmem:s20+$0xFFFFFE40]  }
0x143: {  	v5 =	vld [tilespmem:s20+$0xFFFFFE50]  }
0x144: {  	v6 =	vld [tilespmem:s20+$0xFFFFFE60]  }
0x145: {  	v7 =	vld [tilespmem:s20+$0xFFFFFE70]  }
0x146: {  	v8 =	vld [tilespmem:s20+$0x0]  }
0x147: {  	v9 =	vld [tilespmem:s20+$0x10]  }
0x148: {  	v10 =	vld [tilespmem:s20+$0x20]  }
0x149: {  	v11 =	vld [tilespmem:s20+$0x30]  }
0x14a: {  	v12 =	vld [tilespmem:s20+$0x40]  }
0x14b: {  	v13 =	vld [tilespmem:s20+$0x50]  }
0x14c: {  	v14 =	vld [tilespmem:s20+$0x60]  }
0x14d: {  	v15 =	vld [tilespmem:s20+$0xFFFFFE00]  }
0x14e: {  	v0 =	vld.idx.msk [tilespmem:v0+s3+$0x0], $0xffff  }
0x14f: {  	v1 =	vld.idx.msk [tilespmem:v1+s3+$0x0], $0xffff  }
0x150: {  	v2 =	vld.idx.msk [tilespmem:v2+s3+$0x0], $0xffff  }
0x151: {  	v3 =	vld.idx.msk [tilespmem:v3+s3+$0x0], $0xffff  }
0x152: {  	v4 =	vld.idx.msk [tilespmem:v4+s3+$0x0], $0xffff  }
0x153: {  	s1 =	simm.s32 $0xCC80;
	v5 =	vld.idx.msk [tilespmem:v5+s3+$0x0], $0xffff  }
0x154: {  	v6 =	vld.idx.msk [tilespmem:v6+s3+$0x0], $0xffff;
	[tilespmem:s1+$0x70] =	vst v0  }
0x155: {  	v7 =	vld.idx.msk [tilespmem:v7+s3+$0x0], $0xffff;
	[tilespmem:s1+$0xFFFFFE10] =	vst v1  }
0x156: {  	v15 =	vld.idx.msk [tilespmem:v15+s3+$0x0], $0xffff;
	[tilespmem:s1+$0xFFFFFE20] =	vst v2  }
0x157: {  	v8 =	vld.idx.msk [tilespmem:v8+s3+$0x0], $0xffff;
	[tilespmem:s1+$0xFFFFFE30] =	vst v3  }
0x158: {  	[tilespmem:s1+$0xFFFFFE40] =	vst v4;
	v0 =	vld.idx.msk [tilespmem:v9+s3+$0x0], $0xffff  }
0x159: {  	[tilespmem:s1+$0xFFFFFE50] =	vst v5;
	v1 =	vld.idx.msk [tilespmem:v10+s3+$0x0], $0xffff  }
0x15a: {  	[tilespmem:s1+$0xFFFFFE60] =	vst v6;
	v2 =	vld.idx.msk [tilespmem:v11+s3+$0x0], $0xffff  }
0x15b: {  	[tilespmem:s1+$0xFFFFFE70] =	vst v7;
	v3 =	vld.idx.msk [tilespmem:v12+s3+$0x0], $0xffff  }
0x15c: {  	[tilespmem:s1+$0xFFFFFE00] =	vst v15;
	v4 =	vld.idx.msk [tilespmem:v13+s3+$0x0], $0xffff  }
0x15d: {  	s0 =	simm.s32 $0x0;
	s2 =	simm.s32 $0x880;
	[tilespmem:s1+$0x0] =	vst v8;
	v5 =	vld.idx.msk [tilespmem:v14+s3+$0x0], $0xffff  }
.LBB2_28:
0x15e: {  	v6 =	vld [tilespmem:s2+$0x70];
	s0 =	sadd.s32 $0x10, s0;
	[tilespmem:s1+$0x10] =	vst v0  }
0x15f: {  	v0 =	vld [tilespmem:s2+$0xFFFFFE10];
	p0 =	slt.u32 s0, $0x310;
	[tilespmem:s1+$0x20] =	vst v1  }
0x160: {  	v1 =	vld [tilespmem:s2+$0xFFFFFE20];
	[tilespmem:s1+$0x30] =	vst v2  }
0x161: {  	v2 =	vld [tilespmem:s2+$0xFFFFFE30];
	[tilespmem:s1+$0x40] =	vst v3  }
0x162: {  	v3 =	vld [tilespmem:s2+$0xFFFFFE40];
	[tilespmem:s1+$0x50] =	vst v4  }
0x163: {  	v4 =	vld [tilespmem:s2+$0xFFFFFE50];
	[tilespmem:s1+$0x60] =	vst v5  }
0x164: {  	v5 =	vld [tilespmem:s2+$0xFFFFFE60]  }
0x165: {  	v7 =	vld [tilespmem:s2+$0xFFFFFE70]  }
0x166: {  	v6 =	vld.idx.msk [tilespmem:v6+s3+$0x0], $0xffff  }
0x167: {  	v8 =	vld [tilespmem:s2+$0x0]  }
0x168: {  	v9 =	vld [tilespmem:s2+$0x10]  }
0x169: {  	v10 =	vld [tilespmem:s2+$0x20]  }
0x16a: {  	v11 =	vld [tilespmem:s2+$0x30]  }
0x16b: {  	s1 =	sadd.s32 $0x400, s1;
	v12 =	vld [tilespmem:s2+$0x40]  }
0x16c: {  	v13 =	vld [tilespmem:s2+$0x50];
	[tilespmem:s1+$0x70] =	vst v6  }
0x16d: {  	v6 =	vld [tilespmem:s2+$0x60]  }
0x16e: {  	v14 =	vld [tilespmem:s2+$0xFFFFFE00]  }
0x16f: {  	v0 =	vld.idx.msk [tilespmem:v0+s3+$0x0], $0xffff  }
0x170: {  	v1 =	vld.idx.msk [tilespmem:v1+s3+$0x0], $0xffff  }
0x171: {  	v2 =	vld.idx.msk [tilespmem:v2+s3+$0x0], $0xffff  }
0x172: {  	v3 =	vld.idx.msk [tilespmem:v3+s3+$0x0], $0xffff  }
0x173: {  	v4 =	vld.idx.msk [tilespmem:v4+s3+$0x0], $0xffff  }
0x174: {  	v5 =	vld.idx.msk [tilespmem:v5+s3+$0x0], $0xffff  }
0x175: {  	[tilespmem:s1+$0xFFFFFE10] =	vst v0;
	v7 =	vld.idx.msk [tilespmem:v7+s3+$0x0], $0xffff  }
0x176: {  	v14 =	vld.idx.msk [tilespmem:v14+s3+$0x0], $0xffff;
	[tilespmem:s1+$0xFFFFFE20] =	vst v1  }
0x177: {  	[tilespmem:s1+$0xFFFFFE30] =	vst v2;
	v8 =	vld.idx.msk [tilespmem:v8+s3+$0x0], $0xffff  }
0x178: {  	[tilespmem:s1+$0xFFFFFE40] =	vst v3;
	v0 =	vld.idx.msk [tilespmem:v9+s3+$0x0], $0xffff  }
.Ltmp13:
0x179: {  	[tilespmem:s1+$0xFFFFFE50] =	vst v4;
	v1 =	vld.idx.msk [tilespmem:v10+s3+$0x0], $0xffff;
	(pc) =	sbr.rel @p0 .LBB2_28-.Ltmp13, $4  }
0x17a: {  	[tilespmem:s1+$0xFFFFFE60] =	vst v5;
	v2 =	vld.idx.msk [tilespmem:v11+s3+$0x0], $0xffff  }
0x17b: {  	[tilespmem:s1+$0xFFFFFE70] =	vst v7;
	v3 =	vld.idx.msk [tilespmem:v12+s3+$0x0], $0xffff  }
0x17c: {  	[tilespmem:s1+$0xFFFFFE00] =	vst v14;
	v4 =	vld.idx.msk [tilespmem:v13+s3+$0x0], $0xffff  }
0x17d: {  	s2 =	sadd.s32 $0x400, s2;
	[tilespmem:s1+$0x0] =	vst v8;
	v5 =	vld.idx.msk [tilespmem:v6+s3+$0x0], $0xffff  }
0x17e: {  	[tilespmem:s1+$0x10] =	vst v0  }
0x17f: {  	[tilespmem:s1+$0x20] =	vst v1  }
0x180: {  	[tilespmem:s1+$0x30] =	vst v2  }
0x181: {  	[tilespmem:s1+$0x40] =	vst v3  }
0x182: {  	s0 =	simm.s32 $0xCA80;
	[tilespmem:s1+$0x50] =	vst v4  }
0x183: {  	s20 =	sadd.s32 $0x0, s14;
	s2 =	simm.s32 $0xCC80;
	[tilespmem:s1+$0x60] =	vst v5;
	s1 =	simm.s32 $0x10  }
.LBB2_30:
0x184: {  	[hbm4b:s20+s3] =	stream.linear.scatter [tilespmem:s0], [sflag:$0x8], $0x80, $0x38;
	[tilespmem:$0x19100] =	vst v63  }
0x185: {  	s20 =	smov.u32 s1;
	s0 =	smov.u32 s2;
	p0 =	sne.s32 s1, $0x630  }
.Ltmp14:
0x186: {  	s1 =	sadd.s32 $0x10, s1;
	(pc) =	sbr.rel @p0 .LBB2_30-.Ltmp14, $2  }
0x187: {  	_ =	sdelay $0x2  }
0x188: {  	s2 =	sadd.s32 $0x200, s2;
	s20 =	sadd.s32 s20, s14  }
0x189: {  	[hbm4b:s20+s3] =	stream.linear.scatter [tilespmem:s0], [sflag:$0x8], $0x80, $0x38;
	[tilespmem:$0x19100] =	vst v63  }
0x18a: {  	s0 =	simm.s32 $0x280  }
0x18b: {  	s1 =	simm.s32 $0x10;
	s20 =	sadd.s32 $0x0, s15;
	s2 =	simm.s32 $0x480  }
.LBB2_32:
0x18c: {  	[tilespmem:s0], [sflag:$0x4] =	stream.linear.gather [hbm4b:s20+s3], $0x80, $0x38;
	[tilespmem:$0x19100] =	vst v63  }
0x18d: {  	s20 =	smov.u32 s1;
	s0 =	smov.u32 s2;
	p0 =	sne.s32 s1, $0x630  }
.Ltmp15:
0x18e: {  	s1 =	sadd.s32 $0x10, s1;
	(pc) =	sbr.rel @p0 .LBB2_32-.Ltmp15, $2  }
0x18f: {  	_ =	sdelay $0x2  }
0x190: {  	s2 =	sadd.s32 $0x200, s2;
	s20 =	sadd.s32 s20, s15  }
0x191: {  	[tilespmem:s0], [sflag:$0x4] =	stream.linear.gather [hbm4b:s20+s3], $0x80, $0x38;
	[tilespmem:$0x19100] =	vst v63  }
0x192: {  	_ =	swait.ge [sflag:s22], $0x3200  }
0x193: {  	[sflag:s22] =	ssyncset.done $0x0  }
0x194: {  	[sflag:s22] =	ssyncadd.s32 $0xFFFFCE00  }
0x195: {  	_ =	swait.ge [sflag:s26], $0x3200  }
0x196: {  	[sflag:s26] =	ssyncset.done $0x0  }
0x197: {  	s20 =	simm.s32 $0x300;
	[sflag:s26] =	ssyncadd.s32 $0xFFFFCE00  }
0x198: {  	v0 =	vld [tilespmem:s20+$0x70]  }
0x199: {  	v1 =	vld [tilespmem:s20+$0xFFFFFE10]  }
0x19a: {  	v2 =	vld [tilespmem:s20+$0xFFFFFE20]  }
0x19b: {  	v3 =	vld [tilespmem:s20+$0xFFFFFE30]  }
0x19c: {  	v4 =	vld [tilespmem:s20+$0xFFFFFE40]  }
0x19d: {  	v5 =	vld [tilespmem:s20+$0xFFFFFE50]  }
0x19e: {  	v6 =	vld [tilespmem:s20+$0xFFFFFE60]  }
0x19f: {  	v7 =	vld [tilespmem:s20+$0xFFFFFE70]  }
0x1a0: {  	v8 =	vld [tilespmem:s20+$0x0]  }
0x1a1: {  	v9 =	vld [tilespmem:s20+$0x10]  }
0x1a2: {  	v10 =	vld [tilespmem:s20+$0x20]  }
0x1a3: {  	v11 =	vld [tilespmem:s20+$0x30]  }
0x1a4: {  	v12 =	vld [tilespmem:s20+$0x40]  }
0x1a5: {  	v13 =	vld [tilespmem:s20+$0x50]  }
0x1a6: {  	v14 =	vld [tilespmem:s20+$0x60]  }
0x1a7: {  	v15 =	vld [tilespmem:s20+$0xFFFFFE00]  }
0x1a8: {  	v0 =	vld.idx.msk [tilespmem:v0+s3+$0x0], $0xffff  }
0x1a9: {  	v1 =	vld.idx.msk [tilespmem:v1+s3+$0x0], $0xffff  }
0x1aa: {  	v2 =	vld.idx.msk [tilespmem:v2+s3+$0x0], $0xffff  }
0x1ab: {  	v3 =	vld.idx.msk [tilespmem:v3+s3+$0x0], $0xffff  }
0x1ac: {  	v4 =	vld.idx.msk [tilespmem:v4+s3+$0x0], $0xffff  }
0x1ad: {  	s1 =	simm.s32 $0xCB00;
	v5 =	vld.idx.msk [tilespmem:v5+s3+$0x0], $0xffff  }
0x1ae: {  	v6 =	vld.idx.msk [tilespmem:v6+s3+$0x0], $0xffff;
	[tilespmem:s1+$0x70] =	vst v0  }
0x1af: {  	v7 =	vld.idx.msk [tilespmem:v7+s3+$0x0], $0xffff;
	[tilespmem:s1+$0xFFFFFE10] =	vst v1  }
0x1b0: {  	v15 =	vld.idx.msk [tilespmem:v15+s3+$0x0], $0xffff;
	[tilespmem:s1+$0xFFFFFE20] =	vst v2  }
0x1b1: {  	v8 =	vld.idx.msk [tilespmem:v8+s3+$0x0], $0xffff;
	[tilespmem:s1+$0xFFFFFE30] =	vst v3  }
0x1b2: {  	[tilespmem:s1+$0xFFFFFE40] =	vst v4;
	v0 =	vld.idx.msk [tilespmem:v9+s3+$0x0], $0xffff  }
0x1b3: {  	[tilespmem:s1+$0xFFFFFE50] =	vst v5;
	v1 =	vld.idx.msk [tilespmem:v10+s3+$0x0], $0xffff  }
0x1b4: {  	[tilespmem:s1+$0xFFFFFE60] =	vst v6;
	v2 =	vld.idx.msk [tilespmem:v11+s3+$0x0], $0xffff  }
0x1b5: {  	[tilespmem:s1+$0xFFFFFE70] =	vst v7;
	v3 =	vld.idx.msk [tilespmem:v12+s3+$0x0], $0xffff  }
0x1b6: {  	[tilespmem:s1+$0xFFFFFE00] =	vst v15;
	v4 =	vld.idx.msk [tilespmem:v13+s3+$0x0], $0xffff  }
0x1b7: {  	s0 =	simm.s32 $0x0;
	s2 =	simm.s32 $0x700;
	[tilespmem:s1+$0x0] =	vst v8;
	v5 =	vld.idx.msk [tilespmem:v14+s3+$0x0], $0xffff  }
.LBB2_34:
0x1b8: {  	v6 =	vld [tilespmem:s2+$0x70];
	s0 =	sadd.s32 $0x10, s0;
	[tilespmem:s1+$0x10] =	vst v0  }
0x1b9: {  	v0 =	vld [tilespmem:s2+$0xFFFFFE10];
	p0 =	slt.u32 s0, $0x310;
	[tilespmem:s1+$0x20] =	vst v1  }
0x1ba: {  	v1 =	vld [tilespmem:s2+$0xFFFFFE20];
	[tilespmem:s1+$0x30] =	vst v2  }
0x1bb: {  	v2 =	vld [tilespmem:s2+$0xFFFFFE30];
	[tilespmem:s1+$0x40] =	vst v3  }
0x1bc: {  	v3 =	vld [tilespmem:s2+$0xFFFFFE40];
	[tilespmem:s1+$0x50] =	vst v4  }
0x1bd: {  	v4 =	vld [tilespmem:s2+$0xFFFFFE50];
	[tilespmem:s1+$0x60] =	vst v5  }
0x1be: {  	v5 =	vld [tilespmem:s2+$0xFFFFFE60]  }
0x1bf: {  	v7 =	vld [tilespmem:s2+$0xFFFFFE70]  }
0x1c0: {  	v6 =	vld.idx.msk [tilespmem:v6+s3+$0x0], $0xffff  }
0x1c1: {  	v8 =	vld [tilespmem:s2+$0x0]  }
0x1c2: {  	v9 =	vld [tilespmem:s2+$0x10]  }
0x1c3: {  	v10 =	vld [tilespmem:s2+$0x20]  }
0x1c4: {  	v11 =	vld [tilespmem:s2+$0x30]  }
0x1c5: {  	s1 =	sadd.s32 $0x400, s1;
	v12 =	vld [tilespmem:s2+$0x40]  }
0x1c6: {  	v13 =	vld [tilespmem:s2+$0x50];
	[tilespmem:s1+$0x70] =	vst v6  }
0x1c7: {  	v6 =	vld [tilespmem:s2+$0x60]  }
0x1c8: {  	v14 =	vld [tilespmem:s2+$0xFFFFFE00]  }
0x1c9: {  	v0 =	vld.idx.msk [tilespmem:v0+s3+$0x0], $0xffff  }
0x1ca: {  	v1 =	vld.idx.msk [tilespmem:v1+s3+$0x0], $0xffff  }
0x1cb: {  	v2 =	vld.idx.msk [tilespmem:v2+s3+$0x0], $0xffff  }
0x1cc: {  	v3 =	vld.idx.msk [tilespmem:v3+s3+$0x0], $0xffff  }
0x1cd: {  	v4 =	vld.idx.msk [tilespmem:v4+s3+$0x0], $0xffff  }
0x1ce: {  	v5 =	vld.idx.msk [tilespmem:v5+s3+$0x0], $0xffff  }
0x1cf: {  	[tilespmem:s1+$0xFFFFFE10] =	vst v0;
	v7 =	vld.idx.msk [tilespmem:v7+s3+$0x0], $0xffff  }
0x1d0: {  	v14 =	vld.idx.msk [tilespmem:v14+s3+$0x0], $0xffff;
	[tilespmem:s1+$0xFFFFFE20] =	vst v1  }
0x1d1: {  	[tilespmem:s1+$0xFFFFFE30] =	vst v2;
	v8 =	vld.idx.msk [tilespmem:v8+s3+$0x0], $0xffff  }
0x1d2: {  	[tilespmem:s1+$0xFFFFFE40] =	vst v3;
	v0 =	vld.idx.msk [tilespmem:v9+s3+$0x0], $0xffff  }
.Ltmp16:
0x1d3: {  	[tilespmem:s1+$0xFFFFFE50] =	vst v4;
	v1 =	vld.idx.msk [tilespmem:v10+s3+$0x0], $0xffff;
	(pc) =	sbr.rel @p0 .LBB2_34-.Ltmp16, $4  }
0x1d4: {  	[tilespmem:s1+$0xFFFFFE60] =	vst v5;
	v2 =	vld.idx.msk [tilespmem:v11+s3+$0x0], $0xffff  }
0x1d5: {  	[tilespmem:s1+$0xFFFFFE70] =	vst v7;
	v3 =	vld.idx.msk [tilespmem:v12+s3+$0x0], $0xffff  }
0x1d6: {  	[tilespmem:s1+$0xFFFFFE00] =	vst v14;
	v4 =	vld.idx.msk [tilespmem:v13+s3+$0x0], $0xffff  }
0x1d7: {  	s2 =	sadd.s32 $0x400, s2;
	[tilespmem:s1+$0x0] =	vst v8;
	v5 =	vld.idx.msk [tilespmem:v6+s3+$0x0], $0xffff  }
0x1d8: {  	[tilespmem:s1+$0x10] =	vst v0  }
0x1d9: {  	[tilespmem:s1+$0x20] =	vst v1  }
0x1da: {  	[tilespmem:s1+$0x30] =	vst v2  }
0x1db: {  	[tilespmem:s1+$0x40] =	vst v3  }
0x1dc: {  	s0 =	simm.s32 $0xC900;
	[tilespmem:s1+$0x50] =	vst v4  }
0x1dd: {  	s20 =	sadd.s32 $0x0, s16;
	s2 =	simm.s32 $0xCB00;
	[tilespmem:s1+$0x60] =	vst v5;
	s1 =	simm.s32 $0x10  }
.LBB2_36:
0x1de: {  	[hbm4b:s20+s3] =	stream.linear.scatter [tilespmem:s0], [sflag:$0x5], $0x80, $0x38;
	[tilespmem:$0x19100] =	vst v63  }
0x1df: {  	s20 =	smov.u32 s1;
	s0 =	smov.u32 s2;
	p0 =	sne.s32 s1, $0x630  }
.Ltmp17:
0x1e0: {  	s1 =	sadd.s32 $0x10, s1;
	(pc) =	sbr.rel @p0 .LBB2_36-.Ltmp17, $2  }
0x1e1: {  	_ =	sdelay $0x2  }
0x1e2: {  	s2 =	sadd.s32 $0x200, s2;
	s20 =	sadd.s32 s20, s16  }
0x1e3: {  	[hbm4b:s20+s3] =	stream.linear.scatter [tilespmem:s0], [sflag:$0x5], $0x80, $0x38;
	[tilespmem:$0x19100] =	vst v63  }
0x1e4: {  	_ =	swait.ge [sflag:s23], $0x3200  }
0x1e5: {  	[sflag:s23] =	ssyncset.done $0x0  }
0x1e6: {  	[sflag:s23] =	ssyncadd.s32 $0xFFFFCE00  }
0x1e7: {  	_ =	swait.ge [sflag:s28], $0x3200  }
0x1e8: {  	[sflag:s28] =	ssyncset.done $0x0  }
0x1e9: {  	s20 =	simm.s32 $0x380;
	[sflag:s28] =	ssyncadd.s32 $0xFFFFCE00  }
0x1ea: {  	v0 =	vld [tilespmem:s20+$0x70]  }
0x1eb: {  	v1 =	vld [tilespmem:s20+$0xFFFFFE10]  }
0x1ec: {  	v2 =	vld [tilespmem:s20+$0xFFFFFE20]  }
0x1ed: {  	v3 =	vld [tilespmem:s20+$0xFFFFFE30]  }
0x1ee: {  	v4 =	vld [tilespmem:s20+$0xFFFFFE40]  }
0x1ef: {  	v5 =	vld [tilespmem:s20+$0xFFFFFE50]  }
0x1f0: {  	v6 =	vld [tilespmem:s20+$0xFFFFFE60]  }
0x1f1: {  	v7 =	vld [tilespmem:s20+$0xFFFFFE70]  }
0x1f2: {  	v8 =	vld [tilespmem:s20+$0x0]  }
0x1f3: {  	v9 =	vld [tilespmem:s20+$0x10]  }
0x1f4: {  	v10 =	vld [tilespmem:s20+$0x20]  }
0x1f5: {  	v11 =	vld [tilespmem:s20+$0x30]  }
0x1f6: {  	v12 =	vld [tilespmem:s20+$0x40]  }
0x1f7: {  	v13 =	vld [tilespmem:s20+$0x50]  }
0x1f8: {  	v14 =	vld [tilespmem:s20+$0x60]  }
0x1f9: {  	v15 =	vld [tilespmem:s20+$0xFFFFFE00]  }
0x1fa: {  	v0 =	vld.idx.msk [tilespmem:v0+s3+$0x0], $0xffff  }
0x1fb: {  	v1 =	vld.idx.msk [tilespmem:v1+s3+$0x0], $0xffff  }
0x1fc: {  	v2 =	vld.idx.msk [tilespmem:v2+s3+$0x0], $0xffff  }
0x1fd: {  	v3 =	vld.idx.msk [tilespmem:v3+s3+$0x0], $0xffff  }
0x1fe: {  	v4 =	vld.idx.msk [tilespmem:v4+s3+$0x0], $0xffff  }
0x1ff: {  	s1 =	simm.s32 $0xCB80;
	v5 =	vld.idx.msk [tilespmem:v5+s3+$0x0], $0xffff  }
0x200: {  	v6 =	vld.idx.msk [tilespmem:v6+s3+$0x0], $0xffff;
	[tilespmem:s1+$0x70] =	vst v0  }
0x201: {  	v7 =	vld.idx.msk [tilespmem:v7+s3+$0x0], $0xffff;
	[tilespmem:s1+$0xFFFFFE10] =	vst v1  }
0x202: {  	v15 =	vld.idx.msk [tilespmem:v15+s3+$0x0], $0xffff;
	[tilespmem:s1+$0xFFFFFE20] =	vst v2  }
0x203: {  	v8 =	vld.idx.msk [tilespmem:v8+s3+$0x0], $0xffff;
	[tilespmem:s1+$0xFFFFFE30] =	vst v3  }
0x204: {  	[tilespmem:s1+$0xFFFFFE40] =	vst v4;
	v0 =	vld.idx.msk [tilespmem:v9+s3+$0x0], $0xffff  }
0x205: {  	[tilespmem:s1+$0xFFFFFE50] =	vst v5;
	v1 =	vld.idx.msk [tilespmem:v10+s3+$0x0], $0xffff  }
0x206: {  	[tilespmem:s1+$0xFFFFFE60] =	vst v6;
	v2 =	vld.idx.msk [tilespmem:v11+s3+$0x0], $0xffff  }
0x207: {  	[tilespmem:s1+$0xFFFFFE70] =	vst v7;
	v3 =	vld.idx.msk [tilespmem:v12+s3+$0x0], $0xffff  }
0x208: {  	[tilespmem:s1+$0xFFFFFE00] =	vst v15;
	v4 =	vld.idx.msk [tilespmem:v13+s3+$0x0], $0xffff  }
0x209: {  	s0 =	simm.s32 $0x0;
	s2 =	simm.s32 $0x780;
	[tilespmem:s1+$0x0] =	vst v8;
	v5 =	vld.idx.msk [tilespmem:v14+s3+$0x0], $0xffff  }
.LBB2_38:
0x20a: {  	v6 =	vld [tilespmem:s2+$0x70];
	s0 =	sadd.s32 $0x10, s0;
	[tilespmem:s1+$0x10] =	vst v0  }
0x20b: {  	v0 =	vld [tilespmem:s2+$0xFFFFFE10];
	p0 =	slt.u32 s0, $0x310;
	[tilespmem:s1+$0x20] =	vst v1  }
0x20c: {  	v1 =	vld [tilespmem:s2+$0xFFFFFE20];
	[tilespmem:s1+$0x30] =	vst v2  }
0x20d: {  	v2 =	vld [tilespmem:s2+$0xFFFFFE30];
	[tilespmem:s1+$0x40] =	vst v3  }
0x20e: {  	v3 =	vld [tilespmem:s2+$0xFFFFFE40];
	[tilespmem:s1+$0x50] =	vst v4  }
0x20f: {  	v4 =	vld [tilespmem:s2+$0xFFFFFE50];
	[tilespmem:s1+$0x60] =	vst v5  }
0x210: {  	v5 =	vld [tilespmem:s2+$0xFFFFFE60]  }
0x211: {  	v7 =	vld [tilespmem:s2+$0xFFFFFE70]  }
0x212: {  	v6 =	vld.idx.msk [tilespmem:v6+s3+$0x0], $0xffff  }
0x213: {  	v8 =	vld [tilespmem:s2+$0x0]  }
0x214: {  	v9 =	vld [tilespmem:s2+$0x10]  }
0x215: {  	v10 =	vld [tilespmem:s2+$0x20]  }
0x216: {  	v11 =	vld [tilespmem:s2+$0x30]  }
0x217: {  	s1 =	sadd.s32 $0x400, s1;
	v12 =	vld [tilespmem:s2+$0x40]  }
0x218: {  	v13 =	vld [tilespmem:s2+$0x50];
	[tilespmem:s1+$0x70] =	vst v6  }
0x219: {  	v6 =	vld [tilespmem:s2+$0x60]  }
0x21a: {  	v14 =	vld [tilespmem:s2+$0xFFFFFE00]  }
0x21b: {  	v0 =	vld.idx.msk [tilespmem:v0+s3+$0x0], $0xffff  }
0x21c: {  	v1 =	vld.idx.msk [tilespmem:v1+s3+$0x0], $0xffff  }
0x21d: {  	v2 =	vld.idx.msk [tilespmem:v2+s3+$0x0], $0xffff  }
0x21e: {  	v3 =	vld.idx.msk [tilespmem:v3+s3+$0x0], $0xffff  }
0x21f: {  	v4 =	vld.idx.msk [tilespmem:v4+s3+$0x0], $0xffff  }
0x220: {  	v5 =	vld.idx.msk [tilespmem:v5+s3+$0x0], $0xffff  }
0x221: {  	[tilespmem:s1+$0xFFFFFE10] =	vst v0;
	v7 =	vld.idx.msk [tilespmem:v7+s3+$0x0], $0xffff  }
0x222: {  	v14 =	vld.idx.msk [tilespmem:v14+s3+$0x0], $0xffff;
	[tilespmem:s1+$0xFFFFFE20] =	vst v1  }
0x223: {  	[tilespmem:s1+$0xFFFFFE30] =	vst v2;
	v8 =	vld.idx.msk [tilespmem:v8+s3+$0x0], $0xffff  }
0x224: {  	[tilespmem:s1+$0xFFFFFE40] =	vst v3;
	v0 =	vld.idx.msk [tilespmem:v9+s3+$0x0], $0xffff  }
.Ltmp18:
0x225: {  	[tilespmem:s1+$0xFFFFFE50] =	vst v4;
	v1 =	vld.idx.msk [tilespmem:v10+s3+$0x0], $0xffff;
	(pc) =	sbr.rel @p0 .LBB2_38-.Ltmp18, $4  }
0x226: {  	[tilespmem:s1+$0xFFFFFE60] =	vst v5;
	v2 =	vld.idx.msk [tilespmem:v11+s3+$0x0], $0xffff  }
0x227: {  	[tilespmem:s1+$0xFFFFFE70] =	vst v7;
	v3 =	vld.idx.msk [tilespmem:v12+s3+$0x0], $0xffff  }
0x228: {  	[tilespmem:s1+$0xFFFFFE00] =	vst v14;
	v4 =	vld.idx.msk [tilespmem:v13+s3+$0x0], $0xffff  }
0x229: {  	s2 =	sadd.s32 $0x400, s2;
	[tilespmem:s1+$0x0] =	vst v8;
	v5 =	vld.idx.msk [tilespmem:v6+s3+$0x0], $0xffff  }
0x22a: {  	[tilespmem:s1+$0x10] =	vst v0  }
0x22b: {  	[tilespmem:s1+$0x20] =	vst v1  }
0x22c: {  	[tilespmem:s1+$0x30] =	vst v2  }
0x22d: {  	[tilespmem:s1+$0x40] =	vst v3  }
0x22e: {  	s0 =	simm.s32 $0xC980;
	[tilespmem:s1+$0x50] =	vst v4  }
0x22f: {  	s20 =	sadd.s32 $0x0, s17;
	s2 =	simm.s32 $0xCB80;
	[tilespmem:s1+$0x60] =	vst v5;
	s1 =	simm.s32 $0x10  }
.LBB2_40:
0x230: {  	[hbm4b:s20+s3] =	stream.linear.scatter [tilespmem:s0], [sflag:$0x6], $0x80, $0x38;
	[tilespmem:$0x19100] =	vst v63  }
0x231: {  	s20 =	smov.u32 s1;
	s0 =	smov.u32 s2;
	p0 =	sne.s32 s1, $0x630  }
.Ltmp19:
0x232: {  	s1 =	sadd.s32 $0x10, s1;
	(pc) =	sbr.rel @p0 .LBB2_40-.Ltmp19, $2  }
0x233: {  	_ =	sdelay $0x2  }
0x234: {  	s2 =	sadd.s32 $0x200, s2;
	s20 =	sadd.s32 s20, s17  }
0x235: {  	[hbm4b:s20+s3] =	stream.linear.scatter [tilespmem:s0], [sflag:$0x6], $0x80, $0x38;
	[tilespmem:$0x19100] =	vst v63  }
0x236: {  	_ =	swait.ge [sflag:s24], $0x3200  }
0x237: {  	[sflag:s24] =	ssyncset.done $0x0  }
0x238: {  	[sflag:s24] =	ssyncadd.s32 $0xFFFFCE00  }
0x239: {  	_ =	swait.ge [sflag:s29], $0x3200  }
0x23a: {  	[sflag:s29] =	ssyncset.done $0x0  }
0x23b: {  	s20 =	simm.s32 $0x400;
	[sflag:s29] =	ssyncadd.s32 $0xFFFFCE00  }
0x23c: {  	v0 =	vld [tilespmem:s20+$0x70]  }
0x23d: {  	v1 =	vld [tilespmem:s20+$0xFFFFFE10]  }
0x23e: {  	v2 =	vld [tilespmem:s20+$0xFFFFFE20]  }
0x23f: {  	v3 =	vld [tilespmem:s20+$0xFFFFFE30]  }
0x240: {  	v4 =	vld [tilespmem:s20+$0xFFFFFE40]  }
0x241: {  	v5 =	vld [tilespmem:s20+$0xFFFFFE50]  }
0x242: {  	v6 =	vld [tilespmem:s20+$0xFFFFFE60]  }
0x243: {  	v7 =	vld [tilespmem:s20+$0xFFFFFE70]  }
0x244: {  	v8 =	vld [tilespmem:s20+$0x0]  }
0x245: {  	v9 =	vld [tilespmem:s20+$0x10]  }
0x246: {  	v10 =	vld [tilespmem:s20+$0x20]  }
0x247: {  	v11 =	vld [tilespmem:s20+$0x30]  }
0x248: {  	v12 =	vld [tilespmem:s20+$0x40]  }
0x249: {  	v13 =	vld [tilespmem:s20+$0x50]  }
0x24a: {  	v14 =	vld [tilespmem:s20+$0x60]  }
0x24b: {  	v15 =	vld [tilespmem:s20+$0xFFFFFE00]  }
0x24c: {  	v0 =	vld.idx.msk [tilespmem:v0+s3+$0x0], $0xffff  }
0x24d: {  	v1 =	vld.idx.msk [tilespmem:v1+s3+$0x0], $0xffff  }
0x24e: {  	v2 =	vld.idx.msk [tilespmem:v2+s3+$0x0], $0xffff  }
0x24f: {  	v3 =	vld.idx.msk [tilespmem:v3+s3+$0x0], $0xffff  }
0x250: {  	v4 =	vld.idx.msk [tilespmem:v4+s3+$0x0], $0xffff  }
0x251: {  	s1 =	simm.s32 $0xCC00;
	v5 =	vld.idx.msk [tilespmem:v5+s3+$0x0], $0xffff  }
0x252: {  	v6 =	vld.idx.msk [tilespmem:v6+s3+$0x0], $0xffff;
	[tilespmem:s1+$0x70] =	vst v0  }
0x253: {  	v7 =	vld.idx.msk [tilespmem:v7+s3+$0x0], $0xffff;
	[tilespmem:s1+$0xFFFFFE10] =	vst v1  }
0x254: {  	v15 =	vld.idx.msk [tilespmem:v15+s3+$0x0], $0xffff;
	[tilespmem:s1+$0xFFFFFE20] =	vst v2  }
0x255: {  	v8 =	vld.idx.msk [tilespmem:v8+s3+$0x0], $0xffff;
	[tilespmem:s1+$0xFFFFFE30] =	vst v3  }
0x256: {  	[tilespmem:s1+$0xFFFFFE40] =	vst v4;
	v0 =	vld.idx.msk [tilespmem:v9+s3+$0x0], $0xffff  }
0x257: {  	[tilespmem:s1+$0xFFFFFE50] =	vst v5;
	v1 =	vld.idx.msk [tilespmem:v10+s3+$0x0], $0xffff  }
0x258: {  	[tilespmem:s1+$0xFFFFFE60] =	vst v6;
	v2 =	vld.idx.msk [tilespmem:v11+s3+$0x0], $0xffff  }
0x259: {  	[tilespmem:s1+$0xFFFFFE70] =	vst v7;
	v3 =	vld.idx.msk [tilespmem:v12+s3+$0x0], $0xffff  }
0x25a: {  	[tilespmem:s1+$0xFFFFFE00] =	vst v15;
	v4 =	vld.idx.msk [tilespmem:v13+s3+$0x0], $0xffff  }
0x25b: {  	s0 =	simm.s32 $0x0;
	s2 =	simm.s32 $0x800;
	[tilespmem:s1+$0x0] =	vst v8;
	v5 =	vld.idx.msk [tilespmem:v14+s3+$0x0], $0xffff  }
.LBB2_42:
0x25c: {  	v6 =	vld [tilespmem:s2+$0x70];
	s0 =	sadd.s32 $0x10, s0;
	[tilespmem:s1+$0x10] =	vst v0  }
0x25d: {  	v0 =	vld [tilespmem:s2+$0xFFFFFE10];
	p0 =	slt.u32 s0, $0x310;
	[tilespmem:s1+$0x20] =	vst v1  }
0x25e: {  	v1 =	vld [tilespmem:s2+$0xFFFFFE20];
	[tilespmem:s1+$0x30] =	vst v2  }
0x25f: {  	v2 =	vld [tilespmem:s2+$0xFFFFFE30];
	[tilespmem:s1+$0x40] =	vst v3  }
0x260: {  	v3 =	vld [tilespmem:s2+$0xFFFFFE40];
	[tilespmem:s1+$0x50] =	vst v4  }
0x261: {  	v4 =	vld [tilespmem:s2+$0xFFFFFE50];
	[tilespmem:s1+$0x60] =	vst v5  }
0x262: {  	v5 =	vld [tilespmem:s2+$0xFFFFFE60]  }
0x263: {  	v7 =	vld [tilespmem:s2+$0xFFFFFE70]  }
0x264: {  	v6 =	vld.idx.msk [tilespmem:v6+s3+$0x0], $0xffff  }
0x265: {  	v8 =	vld [tilespmem:s2+$0x0]  }
0x266: {  	v9 =	vld [tilespmem:s2+$0x10]  }
0x267: {  	v10 =	vld [tilespmem:s2+$0x20]  }
0x268: {  	v11 =	vld [tilespmem:s2+$0x30]  }
0x269: {  	s1 =	sadd.s32 $0x400, s1;
	v12 =	vld [tilespmem:s2+$0x40]  }
0x26a: {  	v13 =	vld [tilespmem:s2+$0x50];
	[tilespmem:s1+$0x70] =	vst v6  }
0x26b: {  	v6 =	vld [tilespmem:s2+$0x60]  }
0x26c: {  	v14 =	vld [tilespmem:s2+$0xFFFFFE00]  }
0x26d: {  	v0 =	vld.idx.msk [tilespmem:v0+s3+$0x0], $0xffff  }
0x26e: {  	v1 =	vld.idx.msk [tilespmem:v1+s3+$0x0], $0xffff  }
0x26f: {  	v2 =	vld.idx.msk [tilespmem:v2+s3+$0x0], $0xffff  }
0x270: {  	v3 =	vld.idx.msk [tilespmem:v3+s3+$0x0], $0xffff  }
0x271: {  	v4 =	vld.idx.msk [tilespmem:v4+s3+$0x0], $0xffff  }
0x272: {  	v5 =	vld.idx.msk [tilespmem:v5+s3+$0x0], $0xffff  }
0x273: {  	[tilespmem:s1+$0xFFFFFE10] =	vst v0;
	v7 =	vld.idx.msk [tilespmem:v7+s3+$0x0], $0xffff  }
0x274: {  	v14 =	vld.idx.msk [tilespmem:v14+s3+$0x0], $0xffff;
	[tilespmem:s1+$0xFFFFFE20] =	vst v1  }
0x275: {  	[tilespmem:s1+$0xFFFFFE30] =	vst v2;
	v8 =	vld.idx.msk [tilespmem:v8+s3+$0x0], $0xffff  }
0x276: {  	[tilespmem:s1+$0xFFFFFE40] =	vst v3;
	v0 =	vld.idx.msk [tilespmem:v9+s3+$0x0], $0xffff  }
.Ltmp20:
0x277: {  	[tilespmem:s1+$0xFFFFFE50] =	vst v4;
	v1 =	vld.idx.msk [tilespmem:v10+s3+$0x0], $0xffff;
	(pc) =	sbr.rel @p0 .LBB2_42-.Ltmp20, $4  }
0x278: {  	[tilespmem:s1+$0xFFFFFE60] =	vst v5;
	v2 =	vld.idx.msk [tilespmem:v11+s3+$0x0], $0xffff  }
0x279: {  	[tilespmem:s1+$0xFFFFFE70] =	vst v7;
	v3 =	vld.idx.msk [tilespmem:v12+s3+$0x0], $0xffff  }
0x27a: {  	[tilespmem:s1+$0xFFFFFE00] =	vst v14;
	v4 =	vld.idx.msk [tilespmem:v13+s3+$0x0], $0xffff  }
0x27b: {  	s2 =	sadd.s32 $0x400, s2;
	[tilespmem:s1+$0x0] =	vst v8;
	v5 =	vld.idx.msk [tilespmem:v6+s3+$0x0], $0xffff  }
0x27c: {  	[tilespmem:s1+$0x10] =	vst v0  }
0x27d: {  	[tilespmem:s1+$0x20] =	vst v1  }
0x27e: {  	[tilespmem:s1+$0x30] =	vst v2  }
0x27f: {  	[tilespmem:s1+$0x40] =	vst v3  }
0x280: {  	s0 =	simm.s32 $0xCA00;
	[tilespmem:s1+$0x50] =	vst v4  }
0x281: {  	s20 =	sadd.s32 $0x0, s18;
	s2 =	simm.s32 $0xCC00;
	[tilespmem:s1+$0x60] =	vst v5;
	s1 =	simm.s32 $0x10  }
.LBB2_44:
0x282: {  	[hbm4b:s20+s3] =	stream.linear.scatter [tilespmem:s0], [sflag:$0x7], $0x80, $0x38;
	[tilespmem:$0x19100] =	vst v63  }
0x283: {  	s20 =	smov.u32 s1;
	s0 =	smov.u32 s2;
	p0 =	sne.s32 s1, $0x630  }
.Ltmp21:
0x284: {  	s1 =	sadd.s32 $0x10, s1;
	(pc) =	sbr.rel @p0 .LBB2_44-.Ltmp21, $2  }
0x285: {  	_ =	sdelay $0x2  }
0x286: {  	s2 =	sadd.s32 $0x200, s2;
	s20 =	sadd.s32 s20, s18  }
0x287: {  	[hbm4b:s20+s3] =	stream.linear.scatter [tilespmem:s0], [sflag:$0x7], $0x80, $0x38;
	[tilespmem:$0x19100] =	vst v63  }
0x288: {  	_ =	swait.ge [sflag:s25], $0x3200  }
0x289: {  	[sflag:s25] =	ssyncset.done $0x0  }
0x28a: {  	[sflag:s25] =	ssyncadd.s32 $0xFFFFCE00  }
0x28b: {  	_ =	swait.ge [sflag:s30], $0x3200  }
0x28c: {  	[sflag:s30] =	ssyncset.done $0x0  }
0x28d: {  	s20 =	simm.s32 $0x480;
	[sflag:s30] =	ssyncadd.s32 $0xFFFFCE00  }
0x28e: {  	v0 =	vld [tilespmem:s20+$0x70]  }
0x28f: {  	v1 =	vld [tilespmem:s20+$0xFFFFFE10]  }
0x290: {  	v2 =	vld [tilespmem:s20+$0xFFFFFE20]  }
0x291: {  	v3 =	vld [tilespmem:s20+$0xFFFFFE30]  }
0x292: {  	v4 =	vld [tilespmem:s20+$0xFFFFFE40]  }
0x293: {  	v5 =	vld [tilespmem:s20+$0xFFFFFE50]  }
0x294: {  	v6 =	vld [tilespmem:s20+$0xFFFFFE60]  }
0x295: {  	v7 =	vld [tilespmem:s20+$0xFFFFFE70]  }
0x296: {  	v8 =	vld [tilespmem:s20+$0x0]  }
0x297: {  	v9 =	vld [tilespmem:s20+$0x10]  }
0x298: {  	v10 =	vld [tilespmem:s20+$0x20]  }
0x299: {  	v11 =	vld [tilespmem:s20+$0x30]  }
0x29a: {  	v12 =	vld [tilespmem:s20+$0x40]  }
0x29b: {  	v13 =	vld [tilespmem:s20+$0x50]  }
0x29c: {  	v14 =	vld [tilespmem:s20+$0x60]  }
0x29d: {  	v15 =	vld [tilespmem:s20+$0xFFFFFE00]  }
0x29e: {  	v0 =	vld.idx.msk [tilespmem:v0+s3+$0x0], $0xffff  }
0x29f: {  	v1 =	vld.idx.msk [tilespmem:v1+s3+$0x0], $0xffff  }
0x2a0: {  	v2 =	vld.idx.msk [tilespmem:v2+s3+$0x0], $0xffff  }
0x2a1: {  	v3 =	vld.idx.msk [tilespmem:v3+s3+$0x0], $0xffff  }
0x2a2: {  	v4 =	vld.idx.msk [tilespmem:v4+s3+$0x0], $0xffff  }
0x2a3: {  	s1 =	simm.s32 $0xCC80;
	v5 =	vld.idx.msk [tilespmem:v5+s3+$0x0], $0xffff  }
0x2a4: {  	v6 =	vld.idx.msk [tilespmem:v6+s3+$0x0], $0xffff;
	[tilespmem:s1+$0x70] =	vst v0  }
0x2a5: {  	v7 =	vld.idx.msk [tilespmem:v7+s3+$0x0], $0xffff;
	[tilespmem:s1+$0xFFFFFE10] =	vst v1  }
0x2a6: {  	v15 =	vld.idx.msk [tilespmem:v15+s3+$0x0], $0xffff;
	[tilespmem:s1+$0xFFFFFE20] =	vst v2  }
0x2a7: {  	v8 =	vld.idx.msk [tilespmem:v8+s3+$0x0], $0xffff;
	[tilespmem:s1+$0xFFFFFE30] =	vst v3  }
0x2a8: {  	[tilespmem:s1+$0xFFFFFE40] =	vst v4;
	v0 =	vld.idx.msk [tilespmem:v9+s3+$0x0], $0xffff  }
0x2a9: {  	[tilespmem:s1+$0xFFFFFE50] =	vst v5;
	v1 =	vld.idx.msk [tilespmem:v10+s3+$0x0], $0xffff  }
0x2aa: {  	[tilespmem:s1+$0xFFFFFE60] =	vst v6;
	v2 =	vld.idx.msk [tilespmem:v11+s3+$0x0], $0xffff  }
0x2ab: {  	[tilespmem:s1+$0xFFFFFE70] =	vst v7;
	v3 =	vld.idx.msk [tilespmem:v12+s3+$0x0], $0xffff  }
0x2ac: {  	[tilespmem:s1+$0xFFFFFE00] =	vst v15;
	v4 =	vld.idx.msk [tilespmem:v13+s3+$0x0], $0xffff  }
0x2ad: {  	s0 =	simm.s32 $0x0;
	s2 =	simm.s32 $0x880;
	[tilespmem:s1+$0x0] =	vst v8;
	v5 =	vld.idx.msk [tilespmem:v14+s3+$0x0], $0xffff  }
.LBB2_46:
0x2ae: {  	v6 =	vld [tilespmem:s2+$0x70];
	s0 =	sadd.s32 $0x10, s0;
	[tilespmem:s1+$0x10] =	vst v0  }
0x2af: {  	v0 =	vld [tilespmem:s2+$0xFFFFFE10];
	p0 =	slt.u32 s0, $0x310;
	[tilespmem:s1+$0x20] =	vst v1  }
0x2b0: {  	v1 =	vld [tilespmem:s2+$0xFFFFFE20];
	[tilespmem:s1+$0x30] =	vst v2  }
0x2b1: {  	v2 =	vld [tilespmem:s2+$0xFFFFFE30];
	[tilespmem:s1+$0x40] =	vst v3  }
0x2b2: {  	v3 =	vld [tilespmem:s2+$0xFFFFFE40];
	[tilespmem:s1+$0x50] =	vst v4  }
0x2b3: {  	v4 =	vld [tilespmem:s2+$0xFFFFFE50];
	[tilespmem:s1+$0x60] =	vst v5  }
0x2b4: {  	v5 =	vld [tilespmem:s2+$0xFFFFFE60]  }
0x2b5: {  	v7 =	vld [tilespmem:s2+$0xFFFFFE70]  }
0x2b6: {  	v6 =	vld.idx.msk [tilespmem:v6+s3+$0x0], $0xffff  }
0x2b7: {  	v8 =	vld [tilespmem:s2+$0x0]  }
0x2b8: {  	v9 =	vld [tilespmem:s2+$0x10]  }
0x2b9: {  	v10 =	vld [tilespmem:s2+$0x20]  }
0x2ba: {  	v11 =	vld [tilespmem:s2+$0x30]  }
0x2bb: {  	s1 =	sadd.s32 $0x400, s1;
	v12 =	vld [tilespmem:s2+$0x40]  }
0x2bc: {  	v13 =	vld [tilespmem:s2+$0x50];
	[tilespmem:s1+$0x70] =	vst v6  }
0x2bd: {  	v6 =	vld [tilespmem:s2+$0x60]  }
0x2be: {  	v14 =	vld [tilespmem:s2+$0xFFFFFE00]  }
0x2bf: {  	v0 =	vld.idx.msk [tilespmem:v0+s3+$0x0], $0xffff  }
0x2c0: {  	v1 =	vld.idx.msk [tilespmem:v1+s3+$0x0], $0xffff  }
0x2c1: {  	v2 =	vld.idx.msk [tilespmem:v2+s3+$0x0], $0xffff  }
0x2c2: {  	v3 =	vld.idx.msk [tilespmem:v3+s3+$0x0], $0xffff  }
0x2c3: {  	v4 =	vld.idx.msk [tilespmem:v4+s3+$0x0], $0xffff  }
0x2c4: {  	v5 =	vld.idx.msk [tilespmem:v5+s3+$0x0], $0xffff  }
0x2c5: {  	[tilespmem:s1+$0xFFFFFE10] =	vst v0;
	v7 =	vld.idx.msk [tilespmem:v7+s3+$0x0], $0xffff  }
0x2c6: {  	v14 =	vld.idx.msk [tilespmem:v14+s3+$0x0], $0xffff;
	[tilespmem:s1+$0xFFFFFE20] =	vst v1  }
0x2c7: {  	[tilespmem:s1+$0xFFFFFE30] =	vst v2;
	v8 =	vld.idx.msk [tilespmem:v8+s3+$0x0], $0xffff  }
0x2c8: {  	[tilespmem:s1+$0xFFFFFE40] =	vst v3;
	v0 =	vld.idx.msk [tilespmem:v9+s3+$0x0], $0xffff  }
.Ltmp22:
0x2c9: {  	[tilespmem:s1+$0xFFFFFE50] =	vst v4;
	v1 =	vld.idx.msk [tilespmem:v10+s3+$0x0], $0xffff;
	(pc) =	sbr.rel @p0 .LBB2_46-.Ltmp22, $4  }
0x2ca: {  	[tilespmem:s1+$0xFFFFFE60] =	vst v5;
	v2 =	vld.idx.msk [tilespmem:v11+s3+$0x0], $0xffff  }
0x2cb: {  	[tilespmem:s1+$0xFFFFFE70] =	vst v7;
	v3 =	vld.idx.msk [tilespmem:v12+s3+$0x0], $0xffff  }
0x2cc: {  	[tilespmem:s1+$0xFFFFFE00] =	vst v14;
	v4 =	vld.idx.msk [tilespmem:v13+s3+$0x0], $0xffff  }
0x2cd: {  	s2 =	sadd.s32 $0x400, s2;
	[tilespmem:s1+$0x0] =	vst v8;
	v5 =	vld.idx.msk [tilespmem:v6+s3+$0x0], $0xffff  }
0x2ce: {  	[tilespmem:s1+$0x10] =	vst v0  }
0x2cf: {  	[tilespmem:s1+$0x20] =	vst v1  }
0x2d0: {  	[tilespmem:s1+$0x30] =	vst v2  }
0x2d1: {  	[tilespmem:s1+$0x40] =	vst v3  }
0x2d2: {  	s0 =	simm.s32 $0xCA80;
	[tilespmem:s1+$0x50] =	vst v4  }
0x2d3: {  	s20 =	sadd.s32 $0x0, s19;
	s2 =	simm.s32 $0xCC80;
	[tilespmem:s1+$0x60] =	vst v5;
	s1 =	simm.s32 $0x10  }
.LBB2_48:
0x2d4: {  	[hbm4b:s20+s3] =	stream.linear.scatter [tilespmem:s0], [sflag:$0x8], $0x80, $0x38;
	[tilespmem:$0x19100] =	vst v63  }
0x2d5: {  	s20 =	smov.u32 s1;
	s0 =	smov.u32 s2;
	p0 =	sne.s32 s1, $0x630  }
.Ltmp23:
0x2d6: {  	s1 =	sadd.s32 $0x10, s1;
	(pc) =	sbr.rel @p0 .LBB2_48-.Ltmp23, $2  }
0x2d7: {  	_ =	sdelay $0x2  }
0x2d8: {  	s2 =	sadd.s32 $0x200, s2;
	s20 =	sadd.s32 s20, s19  }
0x2d9: {  	[hbm4b:s20+s3] =	stream.linear.scatter [tilespmem:s0], [sflag:$0x8], $0x80, $0x38;
	[tilespmem:$0x19100] =	vst v63  }
0x2da: {  	_ =	swait.ge [sflag:s26], $0x3200  }
0x2db: {  	[sflag:s26] =	ssyncset.done $0x0  }
0x2dc: {  	[sflag:s26] =	ssyncadd.s32 $0xFFFFCE00  }
0x2dd: {  	_ =	swait.ge [sflag:s28], $0x3200  }
0x2de: {  	[sflag:s28] =	ssyncset.done $0x0  }
0x2df: {  	[sflag:s28] =	ssyncadd.s32 $0xFFFFCE00  }
0x2e0: {  	_ =	swait.ge [sflag:s29], $0x3200  }
0x2e1: {  	[sflag:s29] =	ssyncset.done $0x0  }
0x2e2: {  	[sflag:s29] =	ssyncadd.s32 $0xFFFFCE00  }
0x2e3: {  	_ =	swait.ge [sflag:s30], $0x3200  }
0x2e4: {  	s31 =	sadd.s32 $0x1, s31;
	s20 =	rddreg [dreg:$0x4]  }
0x2e5: {  	p0 =	sne.s32 s31, s20  }
.Ltmp24:
0x2e6: {  	_ = 	snop;
	(pc) =	sbr.rel @p0 .LBB2_1-.Ltmp24, $3  }
0x2e7: {  	_ =	sdelay $0x1  }
0x2e8: {  	[sflag:s30] =	ssyncset.done $0x0  }
0x2e9: {  	[sflag:s30] =	ssyncadd.s32 $0xFFFFCE00  }
0x2ea: {  	_ =	sfence.sel $0x180000  }
0x2eb: {  	[bflag:$0x0] =	sbarrier.arrive $0xFFFF  }
0x2ec: {  	_ =	strace $0x90000047  }
0x2ed: {  	s0 =	stileid.u32;
	[bflag:$0x2] =	sbarrier.arrive $0xFFFF  }
0x2ee: {  	p0 =	sne.s32 s0, $0x0;
	s0 =	rddreg [dreg:$0x3]  }
0x2ef: {  	s0 =	sadd.s32 @!p0 $0x100000, s0  }
0x2f0: {  	[sflag:s0] =	ssyncadd.tile.s32 @!p0 $0x1;
	_ =	shalt  }
.Lfunc_end2:
_tile_overlayer_lowered:
.L_overlay_start_2:
0x2f1: {  	(tag) =	ssettag $0x2  }
0x2f2: {  	s0 =	rddreg [dreg:$0x0];
	s2 =	stileid.u32  }
0x2f3: {  	s1 =	rddreg [dreg:$0x1];
	p0 =	sne.s32 s2, $0x0  }
0x2f4: {  	s3 =	rddreg [dreg:$0x2];
	[bflag:$0x3] =	sbarrier.arrive $0xFFFF;
	s2 =	simm.s32 @!p0 $0x1C0A  }
0x2f5: {  	[timem:s3], [sflag:s2] =	dma.local @!p0 [hbm:s0], s1  }
0x2f6: {  	s0 =	simm.s32 @!p0 $0xA  }
0x2f7: {  	_ =	swait.ge @!p0 [sflag:s0], s1  }
0x2f8: {  	s1 =	ssub.s32 @!p0 $0x0, s1;
	[sflag:s0] =	ssyncset.done @!p0 $0x0  }
0x2f9: {  	[sflag:s0] =	ssyncadd.s32 @!p0 s1  }
0x2fa: {  	[bflag:$0x3] =	sbarrier.arrive $0xFFFF  }
0x2fb: {  	_ =	shalt  }

</sc_bundles>
